<compile_context>
chip_gen: v7x
topology: tpu7x:2x2x1
jax: 0.10.2.dev20260603
libtpu: 0.0.44.dev20260713+nightly
codegen_flags: <defaults>
</compile_context>

<pallas_src>
import functools

import jax
import jax.numpy as jnp
from jax import lax
from jax.experimental import pallas as pl
from jax.experimental.pallas import tpu as pltpu
from jax.experimental.pallas import tpu_sc as plsc

VOCAB = 1000000
EMBED_DIM = 64
BATCH = 16384
HIST = 50

_NC = 2
_NS = 16
_NW = _NC * _NS

_B = BATCH * HIST
_BPW = _B // _NW
_CHUNK = 128
_NCHUNK = _BPW // _CHUNK
_NBUF = 8


def _gather_body(x_hbm, w_hbm, out_hbm, idx_v, *scratch):
    bufs = scratch[:_NBUF]
    gsems = scratch[_NBUF:2 * _NBUF]
    ssems = scratch[2 * _NBUF:]

    wid = lax.axis_index("s") * _NC + lax.axis_index("c")
    base = wid * _BPW

    pltpu.sync_copy(x_hbm.at[pl.ds(base, _BPW)], idx_v)

    def start_gather(chunk, p):
        idx_slice = idx_v.at[pl.ds(chunk * _CHUNK, _CHUNK)]
        pltpu.async_copy(w_hbm.at[idx_slice], bufs[p], gsems[p])

    def start_scatter(chunk, p):
        dst = out_hbm.at[pl.ds(base + chunk * _CHUNK, _CHUNK)]
        pltpu.async_copy(bufs[p], dst, ssems[p])

    def wait_gather(p):
        pltpu.make_async_copy(w_hbm.at[idx_v.at[pl.ds(0, _CHUNK)]],
                              bufs[p], gsems[p]).wait()

    def wait_scatter(p):
        pltpu.make_async_copy(bufs[p], out_hbm.at[pl.ds(base, _CHUNK)],
                              ssems[p]).wait()

    for p in range(_NBUF):
        start_gather(p, p)

    def step(i, p, refill):
        wait_gather(p)
        start_scatter(i, p)
        if refill:
            pm = (p - 1) % _NBUF
            wait_scatter(pm)
            start_gather(i - 1 + _NBUF, pm)

    step(0, 0, refill=False)

    def loop_body(it, carry):
        i = 1 + it * _NBUF
        for q in range(_NBUF):
            step(i + q, (1 + q) % _NBUF, refill=True)
        return carry

    lax.fori_loop(0, (_NCHUNK - _NBUF) // _NBUF, loop_body, 0)

    for i in range(_NCHUNK - _NBUF + 1, _NCHUNK):
        step(i, i % _NBUF, refill=False)

    for i in range(_NCHUNK - _NBUF, _NCHUNK):
        wait_scatter(i % _NBUF)


@jax.jit
def _gather_flat(x_flat, weight):
    mesh = plsc.VectorSubcoreMesh(core_axis_name="c", subcore_axis_name="s")
    kernel_fn = functools.partial(
        pl.kernel,
        mesh=mesh,
        compiler_params=pltpu.CompilerParams(use_tc_tiling_on_sc=False),
        out_type=jax.ShapeDtypeStruct((_B, EMBED_DIM), jnp.float32),
        scratch_types=(
            [pltpu.VMEM((_BPW,), jnp.int32)]
            + [pltpu.VMEM((_CHUNK, EMBED_DIM), jnp.float32)] * _NBUF
            + [pltpu.SemaphoreType.DMA] * (2 * _NBUF)
        ),
    )(_gather_body)
    return kernel_fn(x_flat, weight)


def kernel(x, weight):
    x_flat = x.reshape(-1).astype(jnp.int32)
    out = _gather_flat(x_flat, weight)
    return out.reshape(BATCH, HIST, EMBED_DIM)

# --- scband reference (transcript-rebuilt; emitter-appended) ---
"""Pipeline reference for scband-gather-embedding-15573551415430 (READ-ONLY COPY).

The authoritative reference and input builder live on the scoring server;
editing this copy changes nothing except your own understanding.
"""

import jax, jax.numpy as jnp
import numpy as np

VOCAB = 1000000
EMBED_DIM = 64
BATCH = 16384
HIST = 50

def setup_inputs(seed: int = 0) -> dict:
    key = jax.random.key(seed)
    k_w, k_x = jax.random.split(key)
    weight = jax.random.normal(k_w, (VOCAB, EMBED_DIM), dtype=jnp.float32)
    x = jax.random.randint(k_x, (BATCH, HIST), 0, VOCAB, dtype=jnp.int64 if jax.config.jax_enable_x64 else jnp.int32)
    return {"x": x, "weight": weight}

def reference(x, weight):
    # GatherEmbedding.forward: self.weight[x]
    return jnp.take(weight, x, axis=0)

if __name__ == "__main__":
    import jax
    _d = setup_inputs()
    print(jax.jit(kernel)(*tuple(_d.values())))

</pallas_src>

<mosaic_0001>
#map = affine_map<(d0, d1) -> (0)>
#map1 = affine_map<(d0, d1) -> (0, 0)>
module attributes {stable_mosaic.version = 14 : i64} {
  func.func @_gather_body(%arg0: i32, %arg1: i32, %arg2: memref<819200xi32, #tpu.memory_space<hbm>>, %arg3: memref<1000000x64xf32, #tpu.memory_space<hbm>>, %arg4: memref<819200x64xf32, #tpu.memory_space<hbm>>, %arg5: memref<25600xi32, #tpu.memory_space<vmem>>, %arg6: memref<128x64xf32, #tpu.memory_space<vmem>>, %arg7: memref<128x64xf32, #tpu.memory_space<vmem>>, %arg8: memref<128x64xf32, #tpu.memory_space<vmem>>, %arg9: memref<128x64xf32, #tpu.memory_space<vmem>>, %arg10: memref<128x64xf32, #tpu.memory_space<vmem>>, %arg11: memref<128x64xf32, #tpu.memory_space<vmem>>, %arg12: memref<128x64xf32, #tpu.memory_space<vmem>>, %arg13: memref<128x64xf32, #tpu.memory_space<vmem>>, %arg14: memref<!tpu.dma_semaphore, #tpu.memory_space<semaphore_mem>>, %arg15: memref<!tpu.dma_semaphore, #tpu.memory_space<semaphore_mem>>, %arg16: memref<!tpu.dma_semaphore, #tpu.memory_space<semaphore_mem>>, %arg17: memref<!tpu.dma_semaphore, #tpu.memory_space<semaphore_mem>>, %arg18: memref<!tpu.dma_semaphore, #tpu.memory_space<semaphore_mem>>, %arg19: memref<!tpu.dma_semaphore, #tpu.memory_space<semaphore_mem>>, %arg20: memref<!tpu.dma_semaphore, #tpu.memory_space<semaphore_mem>>, %arg21: memref<!tpu.dma_semaphore, #tpu.memory_space<semaphore_mem>>, %arg22: memref<!tpu.dma_semaphore, #tpu.memory_space<semaphore_mem>>, %arg23: memref<!tpu.dma_semaphore, #tpu.memory_space<semaphore_mem>>, %arg24: memref<!tpu.dma_semaphore, #tpu.memory_space<semaphore_mem>>, %arg25: memref<!tpu.dma_semaphore, #tpu.memory_space<semaphore_mem>>, %arg26: memref<!tpu.dma_semaphore, #tpu.memory_space<semaphore_mem>>, %arg27: memref<!tpu.dma_semaphore, #tpu.memory_space<semaphore_mem>>, %arg28: memref<!tpu.dma_semaphore, #tpu.memory_space<semaphore_mem>>, %arg29: memref<!tpu.dma_semaphore, #tpu.memory_space<semaphore_mem>>) attributes {dimension_semantics = [#tpu.dimension_semantics<core_parallel>, #tpu.dimension_semantics<subcore_parallel>], iteration_bounds = array<i64: 2, 16>, scalar_prefetch = 0 : i64, scratch_operands = 25 : i64, tpu.core_type = #tpu.core_type<sc_vector_subcore>, window_params = [{transform_indices = #map}, {transform_indices = #map1}, {transform_indices = #map1}]} {
    %mul3A = arith.constant 2 : i32
    %mul3A_0 = arith.muli %arg1, %mul3A : i32
    %add3A = arith.addi %mul3A_0, %arg0 : i32
    %mul3A_1 = arith.constant 25600 : i32
    %mul3A_2 = arith.muli %add3A, %mul3A_1 : i32
    "tpu.region"() ({
      %run_scoped3A = tpu.sem_alloc : memref<!tpu.dma_semaphore, #tpu.memory_space<semaphore_mem>>
      %dma_start3A_166 = tpu.memref_slice %arg2[%mul3A_2] : memref<819200xi32, #tpu.memory_space<hbm>> -> memref<25600xi32, #tpu.memory_space<hbm>>
      %dma_start3A_167 = tpu.memref_slice %arg2[%mul3A_2] : memref<819200xi32, #tpu.memory_space<hbm>> -> memref<25600xi32, #tpu.memory_space<hbm>>
      tpu.enqueue_dma source(%dma_start3A_167 : memref<25600xi32, #tpu.memory_space<hbm>>) target(%arg5 : memref<25600xi32, #tpu.memory_space<vmem>>) target_semaphore(%run_scoped3A : memref<!tpu.dma_semaphore, #tpu.memory_space<semaphore_mem>>)
      %dma_wait3A_168 = tpu.memref_slice %arg2[%mul3A_2] : memref<819200xi32, #tpu.memory_space<hbm>> -> memref<25600xi32, #tpu.memory_space<hbm>>
      %dma_wait3A_169 = tpu.memref_slice %arg2[%mul3A_2] : memref<819200xi32, #tpu.memory_space<hbm>> -> memref<25600xi32, #tpu.memory_space<hbm>>
      tpu.wait_dma2 semaphore(%run_scoped3A : memref<!tpu.dma_semaphore, #tpu.memory_space<semaphore_mem>>) src(%dma_wait3A_169 : memref<25600xi32, #tpu.memory_space<hbm>>) dst(%arg5 : memref<25600xi32, #tpu.memory_space<vmem>>)
      tpu.yield
    }) : () -> ()
    %dma_start3A = arith.constant 0 : i32
    %dma_start3A_3 = tpu.memref_slice %arg5[%dma_start3A] : memref<25600xi32, #tpu.memory_space<vmem>> -> memref<128xi32, #tpu.memory_space<vmem>>
    %dma_start3A_4 = arith.constant 0 : i32
    %dma_start3A_5 = arith.constant 0 : i32
    %dma_start3A_6 = tpu.memref_slice %arg3[%dma_start3A_4, %dma_start3A_5] : memref<1000000x64xf32, #tpu.memory_space<hbm>> -> memref<1000000x64xf32, #tpu.memory_space<hbm>>
    tpu.enqueue_indirect_dma source(%dma_start3A_6 : memref<1000000x64xf32, #tpu.memory_space<hbm>>) target(%arg6 : memref<128x64xf32, #tpu.memory_space<vmem>>) offsets(%dma_start3A_3 : memref<128xi32, #tpu.memory_space<vmem>>) semaphore(%arg14 : memref<!tpu.dma_semaphore, #tpu.memory_space<semaphore_mem>>)
    %dma_start3A_7 = arith.constant 128 : i32
    %dma_start3A_8 = tpu.memref_slice %arg5[%dma_start3A_7] : memref<25600xi32, #tpu.memory_space<vmem>> -> memref<128xi32, #tpu.memory_space<vmem>>
    %dma_start3A_9 = arith.constant 0 : i32
    %dma_start3A_10 = arith.constant 0 : i32
    %dma_start3A_11 = tpu.memref_slice %arg3[%dma_start3A_9, %dma_start3A_10] : memref<1000000x64xf32, #tpu.memory_space<hbm>> -> memref<1000000x64xf32, #tpu.memory_space<hbm>>
    tpu.enqueue_indirect_dma source(%dma_start3A_11 : memref<1000000x64xf32, #tpu.memory_space<hbm>>) target(%arg7 : memref<128x64xf32, #tpu.memory_space<vmem>>) offsets(%dma_start3A_8 : memref<128xi32, #tpu.memory_space<vmem>>) semaphore(%arg15 : memref<!tpu.dma_semaphore, #tpu.memory_space<semaphore_mem>>)
    %dma_start3A_12 = arith.constant 256 : i32
    %dma_start3A_13 = tpu.memref_slice %arg5[%dma_start3A_12] : memref<25600xi32, #tpu.memory_space<vmem>> -> memref<128xi32, #tpu.memory_space<vmem>>
    %dma_start3A_14 = arith.constant 0 : i32
    %dma_start3A_15 = arith.constant 0 : i32
    %dma_start3A_16 = tpu.memref_slice %arg3[%dma_start3A_14, %dma_start3A_15] : memref<1000000x64xf32, #tpu.memory_space<hbm>> -> memref<1000000x64xf32, #tpu.memory_space<hbm>>
    tpu.enqueue_indirect_dma source(%dma_start3A_16 : memref<1000000x64xf32, #tpu.memory_space<hbm>>) target(%arg8 : memref<128x64xf32, #tpu.memory_space<vmem>>) offsets(%dma_start3A_13 : memref<128xi32, #tpu.memory_space<vmem>>) semaphore(%arg16 : memref<!tpu.dma_semaphore, #tpu.memory_space<semaphore_mem>>)
    %dma_start3A_17 = arith.constant 384 : i32
    %dma_start3A_18 = tpu.memref_slice %arg5[%dma_start3A_17] : memref<25600xi32, #tpu.memory_space<vmem>> -> memref<128xi32, #tpu.memory_space<vmem>>
    %dma_start3A_19 = arith.constant 0 : i32
    %dma_start3A_20 = arith.constant 0 : i32
    %dma_start3A_21 = tpu.memref_slice %arg3[%dma_start3A_19, %dma_start3A_20] : memref<1000000x64xf32, #tpu.memory_space<hbm>> -> memref<1000000x64xf32, #tpu.memory_space<hbm>>
    tpu.enqueue_indirect_dma source(%dma_start3A_21 : memref<1000000x64xf32, #tpu.memory_space<hbm>>) target(%arg9 : memref<128x64xf32, #tpu.memory_space<vmem>>) offsets(%dma_start3A_18 : memref<128xi32, #tpu.memory_space<vmem>>) semaphore(%arg17 : memref<!tpu.dma_semaphore, #tpu.memory_space<semaphore_mem>>)
    %dma_start3A_22 = arith.constant 512 : i32
    %dma_start3A_23 = tpu.memref_slice %arg5[%dma_start3A_22] : memref<25600xi32, #tpu.memory_space<vmem>> -> memref<128xi32, #tpu.memory_space<vmem>>
    %dma_start3A_24 = arith.constant 0 : i32
    %dma_start3A_25 = arith.constant 0 : i32
    %dma_start3A_26 = tpu.memref_slice %arg3[%dma_start3A_24, %dma_start3A_25] : memref<1000000x64xf32, #tpu.memory_space<hbm>> -> memref<1000000x64xf32, #tpu.memory_space<hbm>>
    tpu.enqueue_indirect_dma source(%dma_start3A_26 : memref<1000000x64xf32, #tpu.memory_space<hbm>>) target(%arg10 : memref<128x64xf32, #tpu.memory_space<vmem>>) offsets(%dma_start3A_23 : memref<128xi32, #tpu.memory_space<vmem>>) semaphore(%arg18 : memref<!tpu.dma_semaphore, #tpu.memory_space<semaphore_mem>>)
    %dma_start3A_27 = arith.constant 640 : i32
    %dma_start3A_28 = tpu.memref_slice %arg5[%dma_start3A_27] : memref<25600xi32, #tpu.memory_space<vmem>> -> memref<128xi32, #tpu.memory_space<vmem>>
    %dma_start3A_29 = arith.constant 0 : i32
    %dma_start3A_30 = arith.constant 0 : i32
    %dma_start3A_31 = tpu.memref_slice %arg3[%dma_start3A_29, %dma_start3A_30] : memref<1000000x64xf32, #tpu.memory_space<hbm>> -> memref<1000000x64xf32, #tpu.memory_space<hbm>>
    tpu.enqueue_indirect_dma source(%dma_start3A_31 : memref<1000000x64xf32, #tpu.memory_space<hbm>>) target(%arg11 : memref<128x64xf32, #tpu.memory_space<vmem>>) offsets(%dma_start3A_28 : memref<128xi32, #tpu.memory_space<vmem>>) semaphore(%arg19 : memref<!tpu.dma_semaphore, #tpu.memory_space<semaphore_mem>>)
    %dma_start3A_32 = arith.constant 768 : i32
    %dma_start3A_33 = tpu.memref_slice %arg5[%dma_start3A_32] : memref<25600xi32, #tpu.memory_space<vmem>> -> memref<128xi32, #tpu.memory_space<vmem>>
    %dma_start3A_34 = arith.constant 0 : i32
    %dma_start3A_35 = arith.constant 0 : i32
    %dma_start3A_36 = tpu.memref_slice %arg3[%dma_start3A_34, %dma_start3A_35] : memref<1000000x64xf32, #tpu.memory_space<hbm>> -> memref<1000000x64xf32, #tpu.memory_space<hbm>>
    tpu.enqueue_indirect_dma source(%dma_start3A_36 : memref<1000000x64xf32, #tpu.memory_space<hbm>>) target(%arg12 : memref<128x64xf32, #tpu.memory_space<vmem>>) offsets(%dma_start3A_33 : memref<128xi32, #tpu.memory_space<vmem>>) semaphore(%arg20 : memref<!tpu.dma_semaphore, #tpu.memory_space<semaphore_mem>>)
    %dma_start3A_37 = arith.constant 896 : i32
    %dma_start3A_38 = tpu.memref_slice %arg5[%dma_start3A_37] : memref<25600xi32, #tpu.memory_space<vmem>> -> memref<128xi32, #tpu.memory_space<vmem>>
    %dma_start3A_39 = arith.constant 0 : i32
    %dma_start3A_40 = arith.constant 0 : i32
    %dma_start3A_41 = tpu.memref_slice %arg3[%dma_start3A_39, %dma_start3A_40] : memref<1000000x64xf32, #tpu.memory_space<hbm>> -> memref<1000000x64xf32, #tpu.memory_space<hbm>>
    tpu.enqueue_indirect_dma source(%dma_start3A_41 : memref<1000000x64xf32, #tpu.memory_space<hbm>>) target(%arg13 : memref<128x64xf32, #tpu.memory_space<vmem>>) offsets(%dma_start3A_38 : memref<128xi32, #tpu.memory_space<vmem>>) semaphore(%arg21 : memref<!tpu.dma_semaphore, #tpu.memory_space<semaphore_mem>>)
    %dma_wait3A = arith.constant 0 : i32
    %dma_wait3A_42 = tpu.memref_slice %arg5[%dma_wait3A] : memref<25600xi32, #tpu.memory_space<vmem>> -> memref<128xi32, #tpu.memory_space<vmem>>
    %dma_wait3A_43 = arith.constant 0 : i32
    %dma_wait3A_44 = arith.constant 0 : i32
    %dma_wait3A_45 = tpu.memref_slice %arg3[%dma_wait3A_43, %dma_wait3A_44] : memref<1000000x64xf32, #tpu.memory_space<hbm>> -> memref<1000000x64xf32, #tpu.memory_space<hbm>>
    tpu.wait_indirect_dma semaphore(%arg14 : memref<!tpu.dma_semaphore, #tpu.memory_space<semaphore_mem>>) src(%dma_wait3A_45 : memref<1000000x64xf32, #tpu.memory_space<hbm>>) dst(%arg6 : memref<128x64xf32, #tpu.memory_space<vmem>>)
    %add3A_46 = arith.constant 0 : i32
    %add3A_47 = arith.addi %mul3A_2, %add3A_46 : i32
    %dma_start3A_48 = arith.constant 0 : i32
    %dma_start3A_49 = tpu.memref_slice %arg4[%add3A_47, %dma_start3A_48] : memref<819200x64xf32, #tpu.memory_space<hbm>> -> memref<128x64xf32, #tpu.memory_space<hbm>>
    %dma_start3A_50 = arith.constant 0 : i32
    %dma_start3A_51 = tpu.memref_slice %arg4[%add3A_47, %dma_start3A_50] : memref<819200x64xf32, #tpu.memory_space<hbm>> -> memref<128x64xf32, #tpu.memory_space<hbm>>
    tpu.enqueue_dma source(%arg6 : memref<128x64xf32, #tpu.memory_space<vmem>>) target(%dma_start3A_51 : memref<128x64xf32, #tpu.memory_space<hbm>>) target_semaphore(%arg22 : memref<!tpu.dma_semaphore, #tpu.memory_space<semaphore_mem>>)
    %scan3A = arith.constant 0 : i32
    %scan3A_52 = arith.constant 0 : i32
    %scan3A_53 = arith.constant 24 : i32
    %scan3A_54 = arith.addi %scan3A_52, %scan3A_53 : i32
    %scan3A_55 = arith.constant 1 : i32
    scf.for %scan3A_166 = %scan3A_52 to %scan3A_54 step %scan3A_55  : i32 {
      %mul3A_167 = arith.constant 8 : i32
      %mul3A_168 = arith.muli %scan3A_166, %mul3A_167 : i32
      %add3A_169 = arith.constant 1 : i32
      %add3A_170 = arith.addi %add3A_169, %mul3A_168 : i32
      %add3A_171 = arith.constant 0 : i32
      %add3A_172 = arith.addi %add3A_170, %add3A_171 : i32
      %dma_wait3A_173 = arith.constant 0 : i32
      %dma_wait3A_174 = tpu.memref_slice %arg5[%dma_wait3A_173] : memref<25600xi32, #tpu.memory_space<vmem>> -> memref<128xi32, #tpu.memory_space<vmem>>
      %dma_wait3A_175 = arith.constant 0 : i32
      %dma_wait3A_176 = arith.constant 0 : i32
      %dma_wait3A_177 = tpu.memref_slice %arg3[%dma_wait3A_175, %dma_wait3A_176] : memref<1000000x64xf32, #tpu.memory_space<hbm>> -> memref<1000000x64xf32, #tpu.memory_space<hbm>>
      tpu.wait_indirect_dma semaphore(%arg15 : memref<!tpu.dma_semaphore, #tpu.memory_space<semaphore_mem>>) src(%dma_wait3A_177 : memref<1000000x64xf32, #tpu.memory_space<hbm>>) dst(%arg7 : memref<128x64xf32, #tpu.memory_space<vmem>>)
      %mul3A_178 = arith.constant 128 : i32
      %mul3A_179 = arith.muli %add3A_172, %mul3A_178 : i32
      %add3A_180 = arith.addi %mul3A_2, %mul3A_179 : i32
      %dma_start3A_181 = arith.constant 0 : i32
      %dma_start3A_182 = tpu.memref_slice %arg4[%add3A_180, %dma_start3A_181] : memref<819200x64xf32, #tpu.memory_space<hbm>> -> memref<128x64xf32, #tpu.memory_space<hbm>>
      %dma_start3A_183 = arith.constant 0 : i32
      %dma_start3A_184 = tpu.memref_slice %arg4[%add3A_180, %dma_start3A_183] : memref<819200x64xf32, #tpu.memory_space<hbm>> -> memref<128x64xf32, #tpu.memory_space<hbm>>
      tpu.enqueue_dma source(%arg7 : memref<128x64xf32, #tpu.memory_space<vmem>>) target(%dma_start3A_184 : memref<128x64xf32, #tpu.memory_space<hbm>>) target_semaphore(%arg23 : memref<!tpu.dma_semaphore, #tpu.memory_space<semaphore_mem>>)
      %dma_wait3A_185 = arith.constant 0 : i32
      %dma_wait3A_186 = tpu.memref_slice %arg4[%mul3A_2, %dma_wait3A_185] : memref<819200x64xf32, #tpu.memory_space<hbm>> -> memref<128x64xf32, #tpu.memory_space<hbm>>
      %dma_wait3A_187 = arith.constant 0 : i32
      %dma_wait3A_188 = tpu.memref_slice %arg4[%mul3A_2, %dma_wait3A_187] : memref<819200x64xf32, #tpu.memory_space<hbm>> -> memref<128x64xf32, #tpu.memory_space<hbm>>
      tpu.wait_dma2 semaphore(%arg22 : memref<!tpu.dma_semaphore, #tpu.memory_space<semaphore_mem>>) src(%arg6 : memref<128x64xf32, #tpu.memory_space<vmem>>) dst(%dma_wait3A_188 : memref<128x64xf32, #tpu.memory_space<hbm>>)
      %sub3A = arith.constant 1 : i32
      %sub3A_189 = arith.subi %add3A_172, %sub3A : i32
      %add3A_190 = arith.constant 8 : i32
      %add3A_191 = arith.addi %sub3A_189, %add3A_190 : i32
      %mul3A_192 = arith.constant 128 : i32
      %mul3A_193 = arith.muli %add3A_191, %mul3A_192 : i32
      %dma_start3A_194 = tpu.memref_slice %arg5[%mul3A_193] : memref<25600xi32, #tpu.memory_space<vmem>> -> memref<128xi32, #tpu.memory_space<vmem>>
      %dma_start3A_195 = arith.constant 0 : i32
      %dma_start3A_196 = arith.constant 0 : i32
      %dma_start3A_197 = tpu.memref_slice %arg3[%dma_start3A_195, %dma_start3A_196] : memref<1000000x64xf32, #tpu.memory_space<hbm>> -> memref<1000000x64xf32, #tpu.memory_space<hbm>>
      tpu.enqueue_indirect_dma source(%dma_start3A_197 : memref<1000000x64xf32, #tpu.memory_space<hbm>>) target(%arg6 : memref<128x64xf32, #tpu.memory_space<vmem>>) offsets(%dma_start3A_194 : memref<128xi32, #tpu.memory_space<vmem>>) semaphore(%arg14 : memref<!tpu.dma_semaphore, #tpu.memory_space<semaphore_mem>>)
      %add3A_198 = arith.constant 1 : i32
      %add3A_199 = arith.addi %add3A_170, %add3A_198 : i32
      %dma_wait3A_200 = arith.constant 0 : i32
      %dma_wait3A_201 = tpu.memref_slice %arg5[%dma_wait3A_200] : memref<25600xi32, #tpu.memory_space<vmem>> -> memref<128xi32, #tpu.memory_space<vmem>>
      %dma_wait3A_202 = arith.constant 0 : i32
      %dma_wait3A_203 = arith.constant 0 : i32
      %dma_wait3A_204 = tpu.memref_slice %arg3[%dma_wait3A_202, %dma_wait3A_203] : memref<1000000x64xf32, #tpu.memory_space<hbm>> -> memref<1000000x64xf32, #tpu.memory_space<hbm>>
      tpu.wait_indirect_dma semaphore(%arg16 : memref<!tpu.dma_semaphore, #tpu.memory_space<semaphore_mem>>) src(%dma_wait3A_204 : memref<1000000x64xf32, #tpu.memory_space<hbm>>) dst(%arg8 : memref<128x64xf32, #tpu.memory_space<vmem>>)
      %mul3A_205 = arith.constant 128 : i32
      %mul3A_206 = arith.muli %add3A_199, %mul3A_205 : i32
      %add3A_207 = arith.addi %mul3A_2, %mul3A_206 : i32
      %dma_start3A_208 = arith.constant 0 : i32
      %dma_start3A_209 = tpu.memref_slice %arg4[%add3A_207, %dma_start3A_208] : memref<819200x64xf32, #tpu.memory_space<hbm>> -> memref<128x64xf32, #tpu.memory_space<hbm>>
      %dma_start3A_210 = arith.constant 0 : i32
      %dma_start3A_211 = tpu.memref_slice %arg4[%add3A_207, %dma_start3A_210] : memref<819200x64xf32, #tpu.memory_space<hbm>> -> memref<128x64xf32, #tpu.memory_space<hbm>>
      tpu.enqueue_dma source(%arg8 : memref<128x64xf32, #tpu.memory_space<vmem>>) target(%dma_start3A_211 : memref<128x64xf32, #tpu.memory_space<hbm>>) target_semaphore(%arg24 : memref<!tpu.dma_semaphore, #tpu.memory_space<semaphore_mem>>)
      %dma_wait3A_212 = arith.constant 0 : i32
      %dma_wait3A_213 = tpu.memref_slice %arg4[%mul3A_2, %dma_wait3A_212] : memref<819200x64xf32, #tpu.memory_space<hbm>> -> memref<128x64xf32, #tpu.memory_space<hbm>>
      %dma_wait3A_214 = arith.constant 0 : i32
      %dma_wait3A_215 = tpu.memref_slice %arg4[%mul3A_2, %dma_wait3A_214] : memref<819200x64xf32, #tpu.memory_space<hbm>> -> memref<128x64xf32, #tpu.memory_space<hbm>>
      tpu.wait_dma2 semaphore(%arg23 : memref<!tpu.dma_semaphore, #tpu.memory_space<semaphore_mem>>) src(%arg7 : memref<128x64xf32, #tpu.memory_space<vmem>>) dst(%dma_wait3A_215 : memref<128x64xf32, #tpu.memory_space<hbm>>)
      %sub3A_216 = arith.constant 1 : i32
      %sub3A_217 = arith.subi %add3A_199, %sub3A_216 : i32
      %add3A_218 = arith.constant 8 : i32
      %add3A_219 = arith.addi %sub3A_217, %add3A_218 : i32
      %mul3A_220 = arith.constant 128 : i32
      %mul3A_221 = arith.muli %add3A_219, %mul3A_220 : i32
      %dma_start3A_222 = tpu.memref_slice %arg5[%mul3A_221] : memref<25600xi32, #tpu.memory_space<vmem>> -> memref<128xi32, #tpu.memory_space<vmem>>
      %dma_start3A_223 = arith.constant 0 : i32
      %dma_start3A_224 = arith.constant 0 : i32
      %dma_start3A_225 = tpu.memref_slice %arg3[%dma_start3A_223, %dma_start3A_224] : memref<1000000x64xf32, #tpu.memory_space<hbm>> -> memref<1000000x64xf32, #tpu.memory_space<hbm>>
      tpu.enqueue_indirect_dma source(%dma_start3A_225 : memref<1000000x64xf32, #tpu.memory_space<hbm>>) target(%arg7 : memref<128x64xf32, #tpu.memory_space<vmem>>) offsets(%dma_start3A_222 : memref<128xi32, #tpu.memory_space<vmem>>) semaphore(%arg15 : memref<!tpu.dma_semaphore, #tpu.memory_space<semaphore_mem>>)
      %add3A_226 = arith.constant 2 : i32
      %add3A_227 = arith.addi %add3A_170, %add3A_226 : i32
      %dma_wait3A_228 = arith.constant 0 : i32
      %dma_wait3A_229 = tpu.memref_slice %arg5[%dma_wait3A_228] : memref<25600xi32, #tpu.memory_space<vmem>> -> memref<128xi32, #tpu.memory_space<vmem>>
      %dma_wait3A_230 = arith.constant 0 : i32
      %dma_wait3A_231 = arith.constant 0 : i32
      %dma_wait3A_232 = tpu.memref_slice %arg3[%dma_wait3A_230, %dma_wait3A_231] : memref<1000000x64xf32, #tpu.memory_space<hbm>> -> memref<1000000x64xf32, #tpu.memory_space<hbm>>
      tpu.wait_indirect_dma semaphore(%arg17 : memref<!tpu.dma_semaphore, #tpu.memory_space<semaphore_mem>>) src(%dma_wait3A_232 : memref<1000000x64xf32, #tpu.memory_space<hbm>>) dst(%arg9 : memref<128x64xf32, #tpu.memory_space<vmem>>)
      %mul3A_233 = arith.constant 128 : i32
      %mul3A_234 = arith.muli %add3A_227, %mul3A_233 : i32
      %add3A_235 = arith.addi %mul3A_2, %mul3A_234 : i32
      %dma_start3A_236 = arith.constant 0 : i32
      %dma_start3A_237 = tpu.memref_slice %arg4[%add3A_235, %dma_start3A_236] : memref<819200x64xf32, #tpu.memory_space<hbm>> -> memref<128x64xf32, #tpu.memory_space<hbm>>
      %dma_start3A_238 = arith.constant 0 : i32
      %dma_start3A_239 = tpu.memref_slice %arg4[%add3A_235, %dma_start3A_238] : memref<819200x64xf32, #tpu.memory_space<hbm>> -> memref<128x64xf32, #tpu.memory_space<hbm>>
      tpu.enqueue_dma source(%arg9 : memref<128x64xf32, #tpu.memory_space<vmem>>) target(%dma_start3A_239 : memref<128x64xf32, #tpu.memory_space<hbm>>) target_semaphore(%arg25 : memref<!tpu.dma_semaphore, #tpu.memory_space<semaphore_mem>>)
      %dma_wait3A_240 = arith.constant 0 : i32
      %dma_wait3A_241 = tpu.memref_slice %arg4[%mul3A_2, %dma_wait3A_240] : memref<819200x64xf32, #tpu.memory_space<hbm>> -> memref<128x64xf32, #tpu.memory_space<hbm>>
      %dma_wait3A_242 = arith.constant 0 : i32
      %dma_wait3A_243 = tpu.memref_slice %arg4[%mul3A_2, %dma_wait3A_242] : memref<819200x64xf32, #tpu.memory_space<hbm>> -> memref<128x64xf32, #tpu.memory_space<hbm>>
      tpu.wait_dma2 semaphore(%arg24 : memref<!tpu.dma_semaphore, #tpu.memory_space<semaphore_mem>>) src(%arg8 : memref<128x64xf32, #tpu.memory_space<vmem>>) dst(%dma_wait3A_243 : memref<128x64xf32, #tpu.memory_space<hbm>>)
      %sub3A_244 = arith.constant 1 : i32
      %sub3A_245 = arith.subi %add3A_227, %sub3A_244 : i32
      %add3A_246 = arith.constant 8 : i32
      %add3A_247 = arith.addi %sub3A_245, %add3A_246 : i32
      %mul3A_248 = arith.constant 128 : i32
      %mul3A_249 = arith.muli %add3A_247, %mul3A_248 : i32
      %dma_start3A_250 = tpu.memref_slice %arg5[%mul3A_249] : memref<25600xi32, #tpu.memory_space<vmem>> -> memref<128xi32, #tpu.memory_space<vmem>>
      %dma_start3A_251 = arith.constant 0 : i32
      %dma_start3A_252 = arith.constant 0 : i32
      %dma_start3A_253 = tpu.memref_slice %arg3[%dma_start3A_251, %dma_start3A_252] : memref<1000000x64xf32, #tpu.memory_space<hbm>> -> memref<1000000x64xf32, #tpu.memory_space<hbm>>
      tpu.enqueue_indirect_dma source(%dma_start3A_253 : memref<1000000x64xf32, #tpu.memory_space<hbm>>) target(%arg8 : memref<128x64xf32, #tpu.memory_space<vmem>>) offsets(%dma_start3A_250 : memref<128xi32, #tpu.memory_space<vmem>>) semaphore(%arg16 : memref<!tpu.dma_semaphore, #tpu.memory_space<semaphore_mem>>)
      %add3A_254 = arith.constant 3 : i32
      %add3A_255 = arith.addi %add3A_170, %add3A_254 : i32
      %dma_wait3A_256 = arith.constant 0 : i32
      %dma_wait3A_257 = tpu.memref_slice %arg5[%dma_wait3A_256] : memref<25600xi32, #tpu.memory_space<vmem>> -> memref<128xi32, #tpu.memory_space<vmem>>
      %dma_wait3A_258 = arith.constant 0 : i32
      %dma_wait3A_259 = arith.constant 0 : i32
      %dma_wait3A_260 = tpu.memref_slice %arg3[%dma_wait3A_258, %dma_wait3A_259] : memref<1000000x64xf32, #tpu.memory_space<hbm>> -> memref<1000000x64xf32, #tpu.memory_space<hbm>>
      tpu.wait_indirect_dma semaphore(%arg18 : memref<!tpu.dma_semaphore, #tpu.memory_space<semaphore_mem>>) src(%dma_wait3A_260 : memref<1000000x64xf32, #tpu.memory_space<hbm>>) dst(%arg10 : memref<128x64xf32, #tpu.memory_space<vmem>>)
      %mul3A_261 = arith.constant 128 : i32
      %mul3A_262 = arith.muli %add3A_255, %mul3A_261 : i32
      %add3A_263 = arith.addi %mul3A_2, %mul3A_262 : i32
      %dma_start3A_264 = arith.constant 0 : i32
      %dma_start3A_265 = tpu.memref_slice %arg4[%add3A_263, %dma_start3A_264] : memref<819200x64xf32, #tpu.memory_space<hbm>> -> memref<128x64xf32, #tpu.memory_space<hbm>>
      %dma_start3A_266 = arith.constant 0 : i32
      %dma_start3A_267 = tpu.memref_slice %arg4[%add3A_263, %dma_start3A_266] : memref<819200x64xf32, #tpu.memory_space<hbm>> -> memref<128x64xf32, #tpu.memory_space<hbm>>
      tpu.enqueue_dma source(%arg10 : memref<128x64xf32, #tpu.memory_space<vmem>>) target(%dma_start3A_267 : memref<128x64xf32, #tpu.memory_space<hbm>>) target_semaphore(%arg26 : memref<!tpu.dma_semaphore, #tpu.memory_space<semaphore_mem>>)
      %dma_wait3A_268 = arith.constant 0 : i32
      %dma_wait3A_269 = tpu.memref_slice %arg4[%mul3A_2, %dma_wait3A_268] : memref<819200x64xf32, #tpu.memory_space<hbm>> -> memref<128x64xf32, #tpu.memory_space<hbm>>
      %dma_wait3A_270 = arith.constant 0 : i32
      %dma_wait3A_271 = tpu.memref_slice %arg4[%mul3A_2, %dma_wait3A_270] : memref<819200x64xf32, #tpu.memory_space<hbm>> -> memref<128x64xf32, #tpu.memory_space<hbm>>
      tpu.wait_dma2 semaphore(%arg25 : memref<!tpu.dma_semaphore, #tpu.memory_space<semaphore_mem>>) src(%arg9 : memref<128x64xf32, #tpu.memory_space<vmem>>) dst(%dma_wait3A_271 : memref<128x64xf32, #tpu.memory_space<hbm>>)
      %sub3A_272 = arith.constant 1 : i32
      %sub3A_273 = arith.subi %add3A_255, %sub3A_272 : i32
      %add3A_274 = arith.constant 8 : i32
      %add3A_275 = arith.addi %sub3A_273, %add3A_274 : i32
      %mul3A_276 = arith.constant 128 : i32
      %mul3A_277 = arith.muli %add3A_275, %mul3A_276 : i32
      %dma_start3A_278 = tpu.memref_slice %arg5[%mul3A_277] : memref<25600xi32, #tpu.memory_space<vmem>> -> memref<128xi32, #tpu.memory_space<vmem>>
      %dma_start3A_279 = arith.constant 0 : i32
      %dma_start3A_280 = arith.constant 0 : i32
      %dma_start3A_281 = tpu.memref_slice %arg3[%dma_start3A_279, %dma_start3A_280] : memref<1000000x64xf32, #tpu.memory_space<hbm>> -> memref<1000000x64xf32, #tpu.memory_space<hbm>>
      tpu.enqueue_indirect_dma source(%dma_start3A_281 : memref<1000000x64xf32, #tpu.memory_space<hbm>>) target(%arg9 : memref<128x64xf32, #tpu.memory_space<vmem>>) offsets(%dma_start3A_278 : memref<128xi32, #tpu.memory_space<vmem>>) semaphore(%arg17 : memref<!tpu.dma_semaphore, #tpu.memory_space<semaphore_mem>>)
      %add3A_282 = arith.constant 4 : i32
      %add3A_283 = arith.addi %add3A_170, %add3A_282 : i32
      %dma_wait3A_284 = arith.constant 0 : i32
      %dma_wait3A_285 = tpu.memref_slice %arg5[%dma_wait3A_284] : memref<25600xi32, #tpu.memory_space<vmem>> -> memref<128xi32, #tpu.memory_space<vmem>>
      %dma_wait3A_286 = arith.constant 0 : i32
      %dma_wait3A_287 = arith.constant 0 : i32
      %dma_wait3A_288 = tpu.memref_slice %arg3[%dma_wait3A_286, %dma_wait3A_287] : memref<1000000x64xf32, #tpu.memory_space<hbm>> -> memref<1000000x64xf32, #tpu.memory_space<hbm>>
      tpu.wait_indirect_dma semaphore(%arg19 : memref<!tpu.dma_semaphore, #tpu.memory_space<semaphore_mem>>) src(%dma_wait3A_288 : memref<1000000x64xf32, #tpu.memory_space<hbm>>) dst(%arg11 : memref<128x64xf32, #tpu.memory_space<vmem>>)
      %mul3A_289 = arith.constant 128 : i32
      %mul3A_290 = arith.muli %add3A_283, %mul3A_289 : i32
      %add3A_291 = arith.addi %mul3A_2, %mul3A_290 : i32
      %dma_start3A_292 = arith.constant 0 : i32
      %dma_start3A_293 = tpu.memref_slice %arg4[%add3A_291, %dma_start3A_292] : memref<819200x64xf32, #tpu.memory_space<hbm>> -> memref<128x64xf32, #tpu.memory_space<hbm>>
      %dma_start3A_294 = arith.constant 0 : i32
      %dma_start3A_295 = tpu.memref_slice %arg4[%add3A_291, %dma_start3A_294] : memref<819200x64xf32, #tpu.memory_space<hbm>> -> memref<128x64xf32, #tpu.memory_space<hbm>>
      tpu.enqueue_dma source(%arg11 : memref<128x64xf32, #tpu.memory_space<vmem>>) target(%dma_start3A_295 : memref<128x64xf32, #tpu.memory_space<hbm>>) target_semaphore(%arg27 : memref<!tpu.dma_semaphore, #tpu.memory_space<semaphore_mem>>)
      %dma_wait3A_296 = arith.constant 0 : i32
      %dma_wait3A_297 = tpu.memref_slice %arg4[%mul3A_2, %dma_wait3A_296] : memref<819200x64xf32, #tpu.memory_space<hbm>> -> memref<128x64xf32, #tpu.memory_space<hbm>>
      %dma_wait3A_298 = arith.constant 0 : i32
      %dma_wait3A_299 = tpu.memref_slice %arg4[%mul3A_2, %dma_wait3A_298] : memref<819200x64xf32, #tpu.memory_space<hbm>> -> memref<128x64xf32, #tpu.memory_space<hbm>>
      tpu.wait_dma2 semaphore(%arg26 : memref<!tpu.dma_semaphore, #tpu.memory_space<semaphore_mem>>) src(%arg10 : memref<128x64xf32, #tpu.memory_space<vmem>>) dst(%dma_wait3A_299 : memref<128x64xf32, #tpu.memory_space<hbm>>)
      %sub3A_300 = arith.constant 1 : i32
      %sub3A_301 = arith.subi %add3A_283, %sub3A_300 : i32
      %add3A_302 = arith.constant 8 : i32
      %add3A_303 = arith.addi %sub3A_301, %add3A_302 : i32
      %mul3A_304 = arith.constant 128 : i32
      %mul3A_305 = arith.muli %add3A_303, %mul3A_304 : i32
      %dma_start3A_306 = tpu.memref_slice %arg5[%mul3A_305] : memref<25600xi32, #tpu.memory_space<vmem>> -> memref<128xi32, #tpu.memory_space<vmem>>
      %dma_start3A_307 = arith.constant 0 : i32
      %dma_start3A_308 = arith.constant 0 : i32
      %dma_start3A_309 = tpu.memref_slice %arg3[%dma_start3A_307, %dma_start3A_308] : memref<1000000x64xf32, #tpu.memory_space<hbm>> -> memref<1000000x64xf32, #tpu.memory_space<hbm>>
      tpu.enqueue_indirect_dma source(%dma_start3A_309 : memref<1000000x64xf32, #tpu.memory_space<hbm>>) target(%arg10 : memref<128x64xf32, #tpu.memory_space<vmem>>) offsets(%dma_start3A_306 : memref<128xi32, #tpu.memory_space<vmem>>) semaphore(%arg18 : memref<!tpu.dma_semaphore, #tpu.memory_space<semaphore_mem>>)
      %add3A_310 = arith.constant 5 : i32
      %add3A_311 = arith.addi %add3A_170, %add3A_310 : i32
      %dma_wait3A_312 = arith.constant 0 : i32
      %dma_wait3A_313 = tpu.memref_slice %arg5[%dma_wait3A_312] : memref<25600xi32, #tpu.memory_space<vmem>> -> memref<128xi32, #tpu.memory_space<vmem>>
      %dma_wait3A_314 = arith.constant 0 : i32
      %dma_wait3A_315 = arith.constant 0 : i32
      %dma_wait3A_316 = tpu.memref_slice %arg3[%dma_wait3A_314, %dma_wait3A_315] : memref<1000000x64xf32, #tpu.memory_space<hbm>> -> memref<1000000x64xf32, #tpu.memory_space<hbm>>
      tpu.wait_indirect_dma semaphore(%arg20 : memref<!tpu.dma_semaphore, #tpu.memory_space<semaphore_mem>>) src(%dma_wait3A_316 : memref<1000000x64xf32, #tpu.memory_space<hbm>>) dst(%arg12 : memref<128x64xf32, #tpu.memory_space<vmem>>)
      %mul3A_317 = arith.constant 128 : i32
      %mul3A_318 = arith.muli %add3A_311, %mul3A_317 : i32
      %add3A_319 = arith.addi %mul3A_2, %mul3A_318 : i32
      %dma_start3A_320 = arith.constant 0 : i32
      %dma_start3A_321 = tpu.memref_slice %arg4[%add3A_319, %dma_start3A_320] : memref<819200x64xf32, #tpu.memory_space<hbm>> -> memref<128x64xf32, #tpu.memory_space<hbm>>
      %dma_start3A_322 = arith.constant 0 : i32
      %dma_start3A_323 = tpu.memref_slice %arg4[%add3A_319, %dma_start3A_322] : memref<819200x64xf32, #tpu.memory_space<hbm>> -> memref<128x64xf32, #tpu.memory_space<hbm>>
      tpu.enqueue_dma source(%arg12 : memref<128x64xf32, #tpu.memory_space<vmem>>) target(%dma_start3A_323 : memref<128x64xf32, #tpu.memory_space<hbm>>) target_semaphore(%arg28 : memref<!tpu.dma_semaphore, #tpu.memory_space<semaphore_mem>>)
      %dma_wait3A_324 = arith.constant 0 : i32
      %dma_wait3A_325 = tpu.memref_slice %arg4[%mul3A_2, %dma_wait3A_324] : memref<819200x64xf32, #tpu.memory_space<hbm>> -> memref<128x64xf32, #tpu.memory_space<hbm>>
      %dma_wait3A_326 = arith.constant 0 : i32
      %dma_wait3A_327 = tpu.memref_slice %arg4[%mul3A_2, %dma_wait3A_326] : memref<819200x64xf32, #tpu.memory_space<hbm>> -> memref<128x64xf32, #tpu.memory_space<hbm>>
      tpu.wait_dma2 semaphore(%arg27 : memref<!tpu.dma_semaphore, #tpu.memory_space<semaphore_mem>>) src(%arg11 : memref<128x64xf32, #tpu.memory_space<vmem>>) dst(%dma_wait3A_327 : memref<128x64xf32, #tpu.memory_space<hbm>>)
      %sub3A_328 = arith.constant 1 : i32
      %sub3A_329 = arith.subi %add3A_311, %sub3A_328 : i32
      %add3A_330 = arith.constant 8 : i32
      %add3A_331 = arith.addi %sub3A_329, %add3A_330 : i32
      %mul3A_332 = arith.constant 128 : i32
      %mul3A_333 = arith.muli %add3A_331, %mul3A_332 : i32
      %dma_start3A_334 = tpu.memref_slice %arg5[%mul3A_333] : memref<25600xi32, #tpu.memory_space<vmem>> -> memref<128xi32, #tpu.memory_space<vmem>>
      %dma_start3A_335 = arith.constant 0 : i32
      %dma_start3A_336 = arith.constant 0 : i32
      %dma_start3A_337 = tpu.memref_slice %arg3[%dma_start3A_335, %dma_start3A_336] : memref<1000000x64xf32, #tpu.memory_space<hbm>> -> memref<1000000x64xf32, #tpu.memory_space<hbm>>
      tpu.enqueue_indirect_dma source(%dma_start3A_337 : memref<1000000x64xf32, #tpu.memory_space<hbm>>) target(%arg11 : memref<128x64xf32, #tpu.memory_space<vmem>>) offsets(%dma_start3A_334 : memref<128xi32, #tpu.memory_space<vmem>>) semaphore(%arg19 : memref<!tpu.dma_semaphore, #tpu.memory_space<semaphore_mem>>)
      %add3A_338 = arith.constant 6 : i32
      %add3A_339 = arith.addi %add3A_170, %add3A_338 : i32
      %dma_wait3A_340 = arith.constant 0 : i32
      %dma_wait3A_341 = tpu.memref_slice %arg5[%dma_wait3A_340] : memref<25600xi32, #tpu.memory_space<vmem>> -> memref<128xi32, #tpu.memory_space<vmem>>
      %dma_wait3A_342 = arith.constant 0 : i32
      %dma_wait3A_343 = arith.constant 0 : i32
      %dma_wait3A_344 = tpu.memref_slice %arg3[%dma_wait3A_342, %dma_wait3A_343] : memref<1000000x64xf32, #tpu.memory_space<hbm>> -> memref<1000000x64xf32, #tpu.memory_space<hbm>>
      tpu.wait_indirect_dma semaphore(%arg21 : memref<!tpu.dma_semaphore, #tpu.memory_space<semaphore_mem>>) src(%dma_wait3A_344 : memref<1000000x64xf32, #tpu.memory_space<hbm>>) dst(%arg13 : memref<128x64xf32, #tpu.memory_space<vmem>>)
      %mul3A_345 = arith.constant 128 : i32
      %mul3A_346 = arith.muli %add3A_339, %mul3A_345 : i32
      %add3A_347 = arith.addi %mul3A_2, %mul3A_346 : i32
      %dma_start3A_348 = arith.constant 0 : i32
      %dma_start3A_349 = tpu.memref_slice %arg4[%add3A_347, %dma_start3A_348] : memref<819200x64xf32, #tpu.memory_space<hbm>> -> memref<128x64xf32, #tpu.memory_space<hbm>>
      %dma_start3A_350 = arith.constant 0 : i32
      %dma_start3A_351 = tpu.memref_slice %arg4[%add3A_347, %dma_start3A_350] : memref<819200x64xf32, #tpu.memory_space<hbm>> -> memref<128x64xf32, #tpu.memory_space<hbm>>
      tpu.enqueue_dma source(%arg13 : memref<128x64xf32, #tpu.memory_space<vmem>>) target(%dma_start3A_351 : memref<128x64xf32, #tpu.memory_space<hbm>>) target_semaphore(%arg29 : memref<!tpu.dma_semaphore, #tpu.memory_space<semaphore_mem>>)
      %dma_wait3A_352 = arith.constant 0 : i32
      %dma_wait3A_353 = tpu.memref_slice %arg4[%mul3A_2, %dma_wait3A_352] : memref<819200x64xf32, #tpu.memory_space<hbm>> -> memref<128x64xf32, #tpu.memory_space<hbm>>
      %dma_wait3A_354 = arith.constant 0 : i32
      %dma_wait3A_355 = tpu.memref_slice %arg4[%mul3A_2, %dma_wait3A_354] : memref<819200x64xf32, #tpu.memory_space<hbm>> -> memref<128x64xf32, #tpu.memory_space<hbm>>
      tpu.wait_dma2 semaphore(%arg28 : memref<!tpu.dma_semaphore, #tpu.memory_space<semaphore_mem>>) src(%arg12 : memref<128x64xf32, #tpu.memory_space<vmem>>) dst(%dma_wait3A_355 : memref<128x64xf32, #tpu.memory_space<hbm>>)
      %sub3A_356 = arith.constant 1 : i32
      %sub3A_357 = arith.subi %add3A_339, %sub3A_356 : i32
      %add3A_358 = arith.constant 8 : i32
      %add3A_359 = arith.addi %sub3A_357, %add3A_358 : i32
      %mul3A_360 = arith.constant 128 : i32
      %mul3A_361 = arith.muli %add3A_359, %mul3A_360 : i32
      %dma_start3A_362 = tpu.memref_slice %arg5[%mul3A_361] : memref<25600xi32, #tpu.memory_space<vmem>> -> memref<128xi32, #tpu.memory_space<vmem>>
      %dma_start3A_363 = arith.constant 0 : i32
      %dma_start3A_364 = arith.constant 0 : i32
      %dma_start3A_365 = tpu.memref_slice %arg3[%dma_start3A_363, %dma_start3A_364] : memref<1000000x64xf32, #tpu.memory_space<hbm>> -> memref<1000000x64xf32, #tpu.memory_space<hbm>>
      tpu.enqueue_indirect_dma source(%dma_start3A_365 : memref<1000000x64xf32, #tpu.memory_space<hbm>>) target(%arg12 : memref<128x64xf32, #tpu.memory_space<vmem>>) offsets(%dma_start3A_362 : memref<128xi32, #tpu.memory_space<vmem>>) semaphore(%arg20 : memref<!tpu.dma_semaphore, #tpu.memory_space<semaphore_mem>>)
      %add3A_366 = arith.constant 7 : i32
      %add3A_367 = arith.addi %add3A_170, %add3A_366 : i32
      %dma_wait3A_368 = arith.constant 0 : i32
      %dma_wait3A_369 = tpu.memref_slice %arg5[%dma_wait3A_368] : memref<25600xi32, #tpu.memory_space<vmem>> -> memref<128xi32, #tpu.memory_space<vmem>>
      %dma_wait3A_370 = arith.constant 0 : i32
      %dma_wait3A_371 = arith.constant 0 : i32
      %dma_wait3A_372 = tpu.memref_slice %arg3[%dma_wait3A_370, %dma_wait3A_371] : memref<1000000x64xf32, #tpu.memory_space<hbm>> -> memref<1000000x64xf32, #tpu.memory_space<hbm>>
      tpu.wait_indirect_dma semaphore(%arg14 : memref<!tpu.dma_semaphore, #tpu.memory_space<semaphore_mem>>) src(%dma_wait3A_372 : memref<1000000x64xf32, #tpu.memory_space<hbm>>) dst(%arg6 : memref<128x64xf32, #tpu.memory_space<vmem>>)
      %mul3A_373 = arith.constant 128 : i32
      %mul3A_374 = arith.muli %add3A_367, %mul3A_373 : i32
      %add3A_375 = arith.addi %mul3A_2, %mul3A_374 : i32
      %dma_start3A_376 = arith.constant 0 : i32
      %dma_start3A_377 = tpu.memref_slice %arg4[%add3A_375, %dma_start3A_376] : memref<819200x64xf32, #tpu.memory_space<hbm>> -> memref<128x64xf32, #tpu.memory_space<hbm>>
      %dma_start3A_378 = arith.constant 0 : i32
      %dma_start3A_379 = tpu.memref_slice %arg4[%add3A_375, %dma_start3A_378] : memref<819200x64xf32, #tpu.memory_space<hbm>> -> memref<128x64xf32, #tpu.memory_space<hbm>>
      tpu.enqueue_dma source(%arg6 : memref<128x64xf32, #tpu.memory_space<vmem>>) target(%dma_start3A_379 : memref<128x64xf32, #tpu.memory_space<hbm>>) target_semaphore(%arg22 : memref<!tpu.dma_semaphore, #tpu.memory_space<semaphore_mem>>)
      %dma_wait3A_380 = arith.constant 0 : i32
      %dma_wait3A_381 = tpu.memref_slice %arg4[%mul3A_2, %dma_wait3A_380] : memref<819200x64xf32, #tpu.memory_space<hbm>> -> memref<128x64xf32, #tpu.memory_space<hbm>>
      %dma_wait3A_382 = arith.constant 0 : i32
      %dma_wait3A_383 = tpu.memref_slice %arg4[%mul3A_2, %dma_wait3A_382] : memref<819200x64xf32, #tpu.memory_space<hbm>> -> memref<128x64xf32, #tpu.memory_space<hbm>>
      tpu.wait_dma2 semaphore(%arg29 : memref<!tpu.dma_semaphore, #tpu.memory_space<semaphore_mem>>) src(%arg13 : memref<128x64xf32, #tpu.memory_space<vmem>>) dst(%dma_wait3A_383 : memref<128x64xf32, #tpu.memory_space<hbm>>)
      %sub3A_384 = arith.constant 1 : i32
      %sub3A_385 = arith.subi %add3A_367, %sub3A_384 : i32
      %add3A_386 = arith.constant 8 : i32
      %add3A_387 = arith.addi %sub3A_385, %add3A_386 : i32
      %mul3A_388 = arith.constant 128 : i32
      %mul3A_389 = arith.muli %add3A_387, %mul3A_388 : i32
      %dma_start3A_390 = tpu.memref_slice %arg5[%mul3A_389] : memref<25600xi32, #tpu.memory_space<vmem>> -> memref<128xi32, #tpu.memory_space<vmem>>
      %dma_start3A_391 = arith.constant 0 : i32
      %dma_start3A_392 = arith.constant 0 : i32
      %dma_start3A_393 = tpu.memref_slice %arg3[%dma_start3A_391, %dma_start3A_392] : memref<1000000x64xf32, #tpu.memory_space<hbm>> -> memref<1000000x64xf32, #tpu.memory_space<hbm>>
      tpu.enqueue_indirect_dma source(%dma_start3A_393 : memref<1000000x64xf32, #tpu.memory_space<hbm>>) target(%arg13 : memref<128x64xf32, #tpu.memory_space<vmem>>) offsets(%dma_start3A_390 : memref<128xi32, #tpu.memory_space<vmem>>) semaphore(%arg21 : memref<!tpu.dma_semaphore, #tpu.memory_space<semaphore_mem>>)
    }
    %scan3A_56 = arith.constant 24 : i32
    %dma_wait3A_57 = arith.constant 0 : i32
    %dma_wait3A_58 = tpu.memref_slice %arg5[%dma_wait3A_57] : memref<25600xi32, #tpu.memory_space<vmem>> -> memref<128xi32, #tpu.memory_space<vmem>>
    %dma_wait3A_59 = arith.constant 0 : i32
    %dma_wait3A_60 = arith.constant 0 : i32
    %dma_wait3A_61 = tpu.memref_slice %arg3[%dma_wait3A_59, %dma_wait3A_60] : memref<1000000x64xf32, #tpu.memory_space<hbm>> -> memref<1000000x64xf32, #tpu.memory_space<hbm>>
    tpu.wait_indirect_dma semaphore(%arg15 : memref<!tpu.dma_semaphore, #tpu.memory_space<semaphore_mem>>) src(%dma_wait3A_61 : memref<1000000x64xf32, #tpu.memory_space<hbm>>) dst(%arg7 : memref<128x64xf32, #tpu.memory_space<vmem>>)
    %add3A_62 = arith.constant 24704 : i32
    %add3A_63 = arith.addi %mul3A_2, %add3A_62 : i32
    %dma_start3A_64 = arith.constant 0 : i32
    %dma_start3A_65 = tpu.memref_slice %arg4[%add3A_63, %dma_start3A_64] : memref<819200x64xf32, #tpu.memory_space<hbm>> -> memref<128x64xf32, #tpu.memory_space<hbm>>
    %dma_start3A_66 = arith.constant 0 : i32
    %dma_start3A_67 = tpu.memref_slice %arg4[%add3A_63, %dma_start3A_66] : memref<819200x64xf32, #tpu.memory_space<hbm>> -> memref<128x64xf32, #tpu.memory_space<hbm>>
    tpu.enqueue_dma source(%arg7 : memref<128x64xf32, #tpu.memory_space<vmem>>) target(%dma_start3A_67 : memref<128x64xf32, #tpu.memory_space<hbm>>) target_semaphore(%arg23 : memref<!tpu.dma_semaphore, #tpu.memory_space<semaphore_mem>>)
    %dma_wait3A_68 = arith.constant 0 : i32
    %dma_wait3A_69 = tpu.memref_slice %arg5[%dma_wait3A_68] : memref<25600xi32, #tpu.memory_space<vmem>> -> memref<128xi32, #tpu.memory_space<vmem>>
    %dma_wait3A_70 = arith.constant 0 : i32
    %dma_wait3A_71 = arith.constant 0 : i32
    %dma_wait3A_72 = tpu.memref_slice %arg3[%dma_wait3A_70, %dma_wait3A_71] : memref<1000000x64xf32, #tpu.memory_space<hbm>> -> memref<1000000x64xf32, #tpu.memory_space<hbm>>
    tpu.wait_indirect_dma semaphore(%arg16 : memref<!tpu.dma_semaphore, #tpu.memory_space<semaphore_mem>>) src(%dma_wait3A_72 : memref<1000000x64xf32, #tpu.memory_space<hbm>>) dst(%arg8 : memref<128x64xf32, #tpu.memory_space<vmem>>)
    %add3A_73 = arith.constant 24832 : i32
    %add3A_74 = arith.addi %mul3A_2, %add3A_73 : i32
    %dma_start3A_75 = arith.constant 0 : i32
    %dma_start3A_76 = tpu.memref_slice %arg4[%add3A_74, %dma_start3A_75] : memref<819200x64xf32, #tpu.memory_space<hbm>> -> memref<128x64xf32, #tpu.memory_space<hbm>>
    %dma_start3A_77 = arith.constant 0 : i32
    %dma_start3A_78 = tpu.memref_slice %arg4[%add3A_74, %dma_start3A_77] : memref<819200x64xf32, #tpu.memory_space<hbm>> -> memref<128x64xf32, #tpu.memory_space<hbm>>
    tpu.enqueue_dma source(%arg8 : memref<128x64xf32, #tpu.memory_space<vmem>>) target(%dma_start3A_78 : memref<128x64xf32, #tpu.memory_space<hbm>>) target_semaphore(%arg24 : memref<!tpu.dma_semaphore, #tpu.memory_space<semaphore_mem>>)
    %dma_wait3A_79 = arith.constant 0 : i32
    %dma_wait3A_80 = tpu.memref_slice %arg5[%dma_wait3A_79] : memref<25600xi32, #tpu.memory_space<vmem>> -> memref<128xi32, #tpu.memory_space<vmem>>
    %dma_wait3A_81 = arith.constant 0 : i32
    %dma_wait3A_82 = arith.constant 0 : i32
    %dma_wait3A_83 = tpu.memref_slice %arg3[%dma_wait3A_81, %dma_wait3A_82] : memref<1000000x64xf32, #tpu.memory_space<hbm>> -> memref<1000000x64xf32, #tpu.memory_space<hbm>>
    tpu.wait_indirect_dma semaphore(%arg17 : memref<!tpu.dma_semaphore, #tpu.memory_space<semaphore_mem>>) src(%dma_wait3A_83 : memref<1000000x64xf32, #tpu.memory_space<hbm>>) dst(%arg9 : memref<128x64xf32, #tpu.memory_space<vmem>>)
    %add3A_84 = arith.constant 24960 : i32
    %add3A_85 = arith.addi %mul3A_2, %add3A_84 : i32
    %dma_start3A_86 = arith.constant 0 : i32
    %dma_start3A_87 = tpu.memref_slice %arg4[%add3A_85, %dma_start3A_86] : memref<819200x64xf32, #tpu.memory_space<hbm>> -> memref<128x64xf32, #tpu.memory_space<hbm>>
    %dma_start3A_88 = arith.constant 0 : i32
    %dma_start3A_89 = tpu.memref_slice %arg4[%add3A_85, %dma_start3A_88] : memref<819200x64xf32, #tpu.memory_space<hbm>> -> memref<128x64xf32, #tpu.memory_space<hbm>>
    tpu.enqueue_dma source(%arg9 : memref<128x64xf32, #tpu.memory_space<vmem>>) target(%dma_start3A_89 : memref<128x64xf32, #tpu.memory_space<hbm>>) target_semaphore(%arg25 : memref<!tpu.dma_semaphore, #tpu.memory_space<semaphore_mem>>)
    %dma_wait3A_90 = arith.constant 0 : i32
    %dma_wait3A_91 = tpu.memref_slice %arg5[%dma_wait3A_90] : memref<25600xi32, #tpu.memory_space<vmem>> -> memref<128xi32, #tpu.memory_space<vmem>>
    %dma_wait3A_92 = arith.constant 0 : i32
    %dma_wait3A_93 = arith.constant 0 : i32
    %dma_wait3A_94 = tpu.memref_slice %arg3[%dma_wait3A_92, %dma_wait3A_93] : memref<1000000x64xf32, #tpu.memory_space<hbm>> -> memref<1000000x64xf32, #tpu.memory_space<hbm>>
    tpu.wait_indirect_dma semaphore(%arg18 : memref<!tpu.dma_semaphore, #tpu.memory_space<semaphore_mem>>) src(%dma_wait3A_94 : memref<1000000x64xf32, #tpu.memory_space<hbm>>) dst(%arg10 : memref<128x64xf32, #tpu.memory_space<vmem>>)
    %add3A_95 = arith.constant 25088 : i32
    %add3A_96 = arith.addi %mul3A_2, %add3A_95 : i32
    %dma_start3A_97 = arith.constant 0 : i32
    %dma_start3A_98 = tpu.memref_slice %arg4[%add3A_96, %dma_start3A_97] : memref<819200x64xf32, #tpu.memory_space<hbm>> -> memref<128x64xf32, #tpu.memory_space<hbm>>
    %dma_start3A_99 = arith.constant 0 : i32
    %dma_start3A_100 = tpu.memref_slice %arg4[%add3A_96, %dma_start3A_99] : memref<819200x64xf32, #tpu.memory_space<hbm>> -> memref<128x64xf32, #tpu.memory_space<hbm>>
    tpu.enqueue_dma source(%arg10 : memref<128x64xf32, #tpu.memory_space<vmem>>) target(%dma_start3A_100 : memref<128x64xf32, #tpu.memory_space<hbm>>) target_semaphore(%arg26 : memref<!tpu.dma_semaphore, #tpu.memory_space<semaphore_mem>>)
    %dma_wait3A_101 = arith.constant 0 : i32
    %dma_wait3A_102 = tpu.memref_slice %arg5[%dma_wait3A_101] : memref<25600xi32, #tpu.memory_space<vmem>> -> memref<128xi32, #tpu.memory_space<vmem>>
    %dma_wait3A_103 = arith.constant 0 : i32
    %dma_wait3A_104 = arith.constant 0 : i32
    %dma_wait3A_105 = tpu.memref_slice %arg3[%dma_wait3A_103, %dma_wait3A_104] : memref<1000000x64xf32, #tpu.memory_space<hbm>> -> memref<1000000x64xf32, #tpu.memory_space<hbm>>
    tpu.wait_indirect_dma semaphore(%arg19 : memref<!tpu.dma_semaphore, #tpu.memory_space<semaphore_mem>>) src(%dma_wait3A_105 : memref<1000000x64xf32, #tpu.memory_space<hbm>>) dst(%arg11 : memref<128x64xf32, #tpu.memory_space<vmem>>)
    %add3A_106 = arith.constant 25216 : i32
    %add3A_107 = arith.addi %mul3A_2, %add3A_106 : i32
    %dma_start3A_108 = arith.constant 0 : i32
    %dma_start3A_109 = tpu.memref_slice %arg4[%add3A_107, %dma_start3A_108] : memref<819200x64xf32, #tpu.memory_space<hbm>> -> memref<128x64xf32, #tpu.memory_space<hbm>>
    %dma_start3A_110 = arith.constant 0 : i32
    %dma_start3A_111 = tpu.memref_slice %arg4[%add3A_107, %dma_start3A_110] : memref<819200x64xf32, #tpu.memory_space<hbm>> -> memref<128x64xf32, #tpu.memory_space<hbm>>
    tpu.enqueue_dma source(%arg11 : memref<128x64xf32, #tpu.memory_space<vmem>>) target(%dma_start3A_111 : memref<128x64xf32, #tpu.memory_space<hbm>>) target_semaphore(%arg27 : memref<!tpu.dma_semaphore, #tpu.memory_space<semaphore_mem>>)
    %dma_wait3A_112 = arith.constant 0 : i32
    %dma_wait3A_113 = tpu.memref_slice %arg5[%dma_wait3A_112] : memref<25600xi32, #tpu.memory_space<vmem>> -> memref<128xi32, #tpu.memory_space<vmem>>
    %dma_wait3A_114 = arith.constant 0 : i32
    %dma_wait3A_115 = arith.constant 0 : i32
    %dma_wait3A_116 = tpu.memref_slice %arg3[%dma_wait3A_114, %dma_wait3A_115] : memref<1000000x64xf32, #tpu.memory_space<hbm>> -> memref<1000000x64xf32, #tpu.memory_space<hbm>>
    tpu.wait_indirect_dma semaphore(%arg20 : memref<!tpu.dma_semaphore, #tpu.memory_space<semaphore_mem>>) src(%dma_wait3A_116 : memref<1000000x64xf32, #tpu.memory_space<hbm>>) dst(%arg12 : memref<128x64xf32, #tpu.memory_space<vmem>>)
    %add3A_117 = arith.constant 25344 : i32
    %add3A_118 = arith.addi %mul3A_2, %add3A_117 : i32
    %dma_start3A_119 = arith.constant 0 : i32
    %dma_start3A_120 = tpu.memref_slice %arg4[%add3A_118, %dma_start3A_119] : memref<819200x64xf32, #tpu.memory_space<hbm>> -> memref<128x64xf32, #tpu.memory_space<hbm>>
    %dma_start3A_121 = arith.constant 0 : i32
    %dma_start3A_122 = tpu.memref_slice %arg4[%add3A_118, %dma_start3A_121] : memref<819200x64xf32, #tpu.memory_space<hbm>> -> memref<128x64xf32, #tpu.memory_space<hbm>>
    tpu.enqueue_dma source(%arg12 : memref<128x64xf32, #tpu.memory_space<vmem>>) target(%dma_start3A_122 : memref<128x64xf32, #tpu.memory_space<hbm>>) target_semaphore(%arg28 : memref<!tpu.dma_semaphore, #tpu.memory_space<semaphore_mem>>)
    %dma_wait3A_123 = arith.constant 0 : i32
    %dma_wait3A_124 = tpu.memref_slice %arg5[%dma_wait3A_123] : memref<25600xi32, #tpu.memory_space<vmem>> -> memref<128xi32, #tpu.memory_space<vmem>>
    %dma_wait3A_125 = arith.constant 0 : i32
    %dma_wait3A_126 = arith.constant 0 : i32
    %dma_wait3A_127 = tpu.memref_slice %arg3[%dma_wait3A_125, %dma_wait3A_126] : memref<1000000x64xf32, #tpu.memory_space<hbm>> -> memref<1000000x64xf32, #tpu.memory_space<hbm>>
    tpu.wait_indirect_dma semaphore(%arg21 : memref<!tpu.dma_semaphore, #tpu.memory_space<semaphore_mem>>) src(%dma_wait3A_127 : memref<1000000x64xf32, #tpu.memory_space<hbm>>) dst(%arg13 : memref<128x64xf32, #tpu.memory_space<vmem>>)
    %add3A_128 = arith.constant 25472 : i32
    %add3A_129 = arith.addi %mul3A_2, %add3A_128 : i32
    %dma_start3A_130 = arith.constant 0 : i32
    %dma_start3A_131 = tpu.memref_slice %arg4[%add3A_129, %dma_start3A_130] : memref<819200x64xf32, #tpu.memory_space<hbm>> -> memref<128x64xf32, #tpu.memory_space<hbm>>
    %dma_start3A_132 = arith.constant 0 : i32
    %dma_start3A_133 = tpu.memref_slice %arg4[%add3A_129, %dma_start3A_132] : memref<819200x64xf32, #tpu.memory_space<hbm>> -> memref<128x64xf32, #tpu.memory_space<hbm>>
    tpu.enqueue_dma source(%arg13 : memref<128x64xf32, #tpu.memory_space<vmem>>) target(%dma_start3A_133 : memref<128x64xf32, #tpu.memory_space<hbm>>) target_semaphore(%arg29 : memref<!tpu.dma_semaphore, #tpu.memory_space<semaphore_mem>>)
    %dma_wait3A_134 = arith.constant 0 : i32
    %dma_wait3A_135 = tpu.memref_slice %arg4[%mul3A_2, %dma_wait3A_134] : memref<819200x64xf32, #tpu.memory_space<hbm>> -> memref<128x64xf32, #tpu.memory_space<hbm>>
    %dma_wait3A_136 = arith.constant 0 : i32
    %dma_wait3A_137 = tpu.memref_slice %arg4[%mul3A_2, %dma_wait3A_136] : memref<819200x64xf32, #tpu.memory_space<hbm>> -> memref<128x64xf32, #tpu.memory_space<hbm>>
    tpu.wait_dma2 semaphore(%arg22 : memref<!tpu.dma_semaphore, #tpu.memory_space<semaphore_mem>>) src(%arg6 : memref<128x64xf32, #tpu.memory_space<vmem>>) dst(%dma_wait3A_137 : memref<128x64xf32, #tpu.memory_space<hbm>>)
    %dma_wait3A_138 = arith.constant 0 : i32
    %dma_wait3A_139 = tpu.memref_slice %arg4[%mul3A_2, %dma_wait3A_138] : memref<819200x64xf32, #tpu.memory_space<hbm>> -> memref<128x64xf32, #tpu.memory_space<hbm>>
    %dma_wait3A_140 = arith.constant 0 : i32
    %dma_wait3A_141 = tpu.memref_slice %arg4[%mul3A_2, %dma_wait3A_140] : memref<819200x64xf32, #tpu.memory_space<hbm>> -> memref<128x64xf32, #tpu.memory_space<hbm>>
    tpu.wait_dma2 semaphore(%arg23 : memref<!tpu.dma_semaphore, #tpu.memory_space<semaphore_mem>>) src(%arg7 : memref<128x64xf32, #tpu.memory_space<vmem>>) dst(%dma_wait3A_141 : memref<128x64xf32, #tpu.memory_space<hbm>>)
    %dma_wait3A_142 = arith.constant 0 : i32
    %dma_wait3A_143 = tpu.memref_slice %arg4[%mul3A_2, %dma_wait3A_142] : memref<819200x64xf32, #tpu.memory_space<hbm>> -> memref<128x64xf32, #tpu.memory_space<hbm>>
    %dma_wait3A_144 = arith.constant 0 : i32
    %dma_wait3A_145 = tpu.memref_slice %arg4[%mul3A_2, %dma_wait3A_144] : memref<819200x64xf32, #tpu.memory_space<hbm>> -> memref<128x64xf32, #tpu.memory_space<hbm>>
    tpu.wait_dma2 semaphore(%arg24 : memref<!tpu.dma_semaphore, #tpu.memory_space<semaphore_mem>>) src(%arg8 : memref<128x64xf32, #tpu.memory_space<vmem>>) dst(%dma_wait3A_145 : memref<128x64xf32, #tpu.memory_space<hbm>>)
    %dma_wait3A_146 = arith.constant 0 : i32
    %dma_wait3A_147 = tpu.memref_slice %arg4[%mul3A_2, %dma_wait3A_146] : memref<819200x64xf32, #tpu.memory_space<hbm>> -> memref<128x64xf32, #tpu.memory_space<hbm>>
    %dma_wait3A_148 = arith.constant 0 : i32
    %dma_wait3A_149 = tpu.memref_slice %arg4[%mul3A_2, %dma_wait3A_148] : memref<819200x64xf32, #tpu.memory_space<hbm>> -> memref<128x64xf32, #tpu.memory_space<hbm>>
    tpu.wait_dma2 semaphore(%arg25 : memref<!tpu.dma_semaphore, #tpu.memory_space<semaphore_mem>>) src(%arg9 : memref<128x64xf32, #tpu.memory_space<vmem>>) dst(%dma_wait3A_149 : memref<128x64xf32, #tpu.memory_space<hbm>>)
    %dma_wait3A_150 = arith.constant 0 : i32
    %dma_wait3A_151 = tpu.memref_slice %arg4[%mul3A_2, %dma_wait3A_150] : memref<819200x64xf32, #tpu.memory_space<hbm>> -> memref<128x64xf32, #tpu.memory_space<hbm>>
    %dma_wait3A_152 = arith.constant 0 : i32
    %dma_wait3A_153 = tpu.memref_slice %arg4[%mul3A_2, %dma_wait3A_152] : memref<819200x64xf32, #tpu.memory_space<hbm>> -> memref<128x64xf32, #tpu.memory_space<hbm>>
    tpu.wait_dma2 semaphore(%arg26 : memref<!tpu.dma_semaphore, #tpu.memory_space<semaphore_mem>>) src(%arg10 : memref<128x64xf32, #tpu.memory_space<vmem>>) dst(%dma_wait3A_153 : memref<128x64xf32, #tpu.memory_space<hbm>>)
    %dma_wait3A_154 = arith.constant 0 : i32
    %dma_wait3A_155 = tpu.memref_slice %arg4[%mul3A_2, %dma_wait3A_154] : memref<819200x64xf32, #tpu.memory_space<hbm>> -> memref<128x64xf32, #tpu.memory_space<hbm>>
    %dma_wait3A_156 = arith.constant 0 : i32
    %dma_wait3A_157 = tpu.memref_slice %arg4[%mul3A_2, %dma_wait3A_156] : memref<819200x64xf32, #tpu.memory_space<hbm>> -> memref<128x64xf32, #tpu.memory_space<hbm>>
    tpu.wait_dma2 semaphore(%arg27 : memref<!tpu.dma_semaphore, #tpu.memory_space<semaphore_mem>>) src(%arg11 : memref<128x64xf32, #tpu.memory_space<vmem>>) dst(%dma_wait3A_157 : memref<128x64xf32, #tpu.memory_space<hbm>>)
    %dma_wait3A_158 = arith.constant 0 : i32
    %dma_wait3A_159 = tpu.memref_slice %arg4[%mul3A_2, %dma_wait3A_158] : memref<819200x64xf32, #tpu.memory_space<hbm>> -> memref<128x64xf32, #tpu.memory_space<hbm>>
    %dma_wait3A_160 = arith.constant 0 : i32
    %dma_wait3A_161 = tpu.memref_slice %arg4[%mul3A_2, %dma_wait3A_160] : memref<819200x64xf32, #tpu.memory_space<hbm>> -> memref<128x64xf32, #tpu.memory_space<hbm>>
    tpu.wait_dma2 semaphore(%arg28 : memref<!tpu.dma_semaphore, #tpu.memory_space<semaphore_mem>>) src(%arg12 : memref<128x64xf32, #tpu.memory_space<vmem>>) dst(%dma_wait3A_161 : memref<128x64xf32, #tpu.memory_space<hbm>>)
    %dma_wait3A_162 = arith.constant 0 : i32
    %dma_wait3A_163 = tpu.memref_slice %arg4[%mul3A_2, %dma_wait3A_162] : memref<819200x64xf32, #tpu.memory_space<hbm>> -> memref<128x64xf32, #tpu.memory_space<hbm>>
    %dma_wait3A_164 = arith.constant 0 : i32
    %dma_wait3A_165 = tpu.memref_slice %arg4[%mul3A_2, %dma_wait3A_164] : memref<819200x64xf32, #tpu.memory_space<hbm>> -> memref<128x64xf32, #tpu.memory_space<hbm>>
    tpu.wait_dma2 semaphore(%arg29 : memref<!tpu.dma_semaphore, #tpu.memory_space<semaphore_mem>>) src(%arg13 : memref<128x64xf32, #tpu.memory_space<vmem>>) dst(%dma_wait3A_165 : memref<128x64xf32, #tpu.memory_space<hbm>>)
    return
  }
}

</mosaic_0001>

<sc_bundles>
// kernel: _gather_flat.3.cloned.1.call-start
scs
__scs_entry_jumppad:
0x0: {  	(pc) =	sbr.rel $0x88, $3  }
0x1: {  	(tag) =	ssettag $0x0;
	lr =	simm.s32 $0x1  }
0x2: {  	[smem:$0x3F9F] =	sst lr;
	_ =	strace $0xD0000000  }
0x3: {  	_ = 	snop  }
0x4: {  	_ = 	snop  }
0x5: {  	_ = 	snop  }
0x6: {  	_ = 	snop  }
0x7: {  	_ = 	snop  }
__scs_overlays_trampoline_lowered:
0x8: {  	[smem:$0x3FAE] =	sst s0  }
0x9: {  	[smem:$0x3FAF] =	sst s1  }
0xa: {  	[smem:$0x3FB0] =	sst s2  }
0xb: {  	[smem:$0x3FB1] =	sst s3  }
0xc: {  	[smem:$0x3FB2] =	sst s4  }
0xd: {  	[smem:$0x3FB3] =	sst s5  }
0xe: {  	[smem:$0x3FB4] =	sst s6  }
0xf: {  	[smem:$0x3FB5] =	sst s7  }
0x10: {  	[smem:$0x3FB6] =	sst s8  }
0x11: {  	[smem:$0x3FB7] =	sst s9;
	s0 =	simm.s32 @!p0 $0x0  }
0x12: {  	s1 =	sld [smem:$0x3F9D];
	s0 =	simm.s32 @p0 $0x1  }
0x13: {  	[smem:$0x3FB8] =	sst s0;
	s0 =	simm.s32 @!p1 $0x0  }
0x14: {  	s2 =	sld [smem:$0x3F9C];
	s0 =	simm.s32 @p1 $0x1  }
0x15: {  	[smem:$0x3FB9] =	sst s0;
	s0 =	simm.s32 @!p2 $0x0  }
0x16: {  	s3 =	sld [smem:$0x3FDB];
	s0 =	simm.s32 @p2 $0x1  }
0x17: {  	s4 =	simm.s32 $0x1BF5;
	[smem:$0x3FBB] =	sst s0  }
0x18: {  	s0 =	sld [smem:$0x3F9E];
	_ =	swait.ge [sflag:s4], $0x0  }
0x19: {  	s7 =	sld [smem:$0x3F9F]  }
0x1a: {  	s8 =	sadd.s32 $0xFFFFE003, lr  }
0x1b: {  	s9 =	sadd.s32 $0xFFFFFEF7, lr;
	s5 =	simm.s32 $0xFFFFFFFF;
	p2 =	slt.u32 s8, $0xFFFFF086  }
0x1c: {  	p1 =	slt.u32 s9, $0xF7A;
	s5 =	simm.s32 @!p2 $0x0  }
0x1d: {  	s5 =	simm.s32 @p1 $0x1;
	p0 =	seq.s32 s7, s2  }
0x1e: {  	s7 =	smul.u32 @!p0 $0xF7A, s2;
	p2 =	seq.s32 @!p0 s5, $0x0  }
0x1f: {  	s9 =	smul.u32 $0xF7A, s1;
	s8 =	simm.s32 @!p0 $0x1BF5;
	p2 =	por !p2, p0  }
0x20: {  	[sflag:s8] =	ssyncset.s32 @!p0 $0xFFFFF086;
	s6 =	sadd.s32 @!p0 s3, s7;
	s7 =	simm.s32 @!p0 $0x108  }
0x21: {  	s3 =	sadd.s32 s3, s9;
	s6 =	sadd.s32 @!p0 $0x88, s6;
	s7 =	simm.s32 @p2 $0x1082  }
0x22: {  	[simem:s7], [sflag:s8] =	dma.local @!p0 [hbm:s6], $0xF7A  }
0x23: {  	s9 =	sor.u32 $0xD0000000, s2;
	s6 =	simm.s32 $0x108;
	_ =	swait.ge @!p0 [sflag:s8], $0x0  }
0x24: {  	s3 =	sadd.s32 $0x88, s3;
	s6 =	simm.s32 @!p1 $0x1082;
	[sflag:s4] =	ssyncset.s32 $0xFFFFF086  }
0x25: {  	[simem:s6], [sflag:s4] =	dma.local [hbm:s3], $0xF7A  }
0x26: {  	[smem:$0x3F9F] =	sst s1;
	(tag) =	ssettag s2;
	_ =	strace s9  }
0x27: {  	s1 =	sld [smem:$0x3FAF]  }
0x28: {  	s2 =	sld [smem:$0x3FB0]  }
0x29: {  	s4 =	sld [smem:$0x3FB2]  }
0x2a: {  	p0 =	seq.s32 s5, $0x0;
	s5 =	sld [smem:$0x3FB3]  }
0x2b: {  	s6 =	sld [smem:$0x3FB4]  }
0x2c: {  	s7 =	sld [smem:$0x3FB5]  }
0x2d: {  	s3 =	simm.s32 $0x108;
	s8 =	sld [smem:$0x3FB6]  }
0x2e: {  	s3 =	simm.s32 @!p0 $0x1082;
	s9 =	sld [smem:$0x3FB7]  }
0x2f: {  	lr =	sadd.s32 s0, s3;
	s0 =	sld [smem:$0x3FAE]  }
0x30: {  	s3 =	sld [smem:$0x3FB1]  }
0x31: {  	[smem:$0x3FBA] =	sst s10  }
0x32: {  	s10 =	sld [smem:$0x3FB8];
	_ =	sdelay $0x3  }
0x33: {  	p0 =	seq.s32 s10, $0x1;
	s10 =	sld [smem:$0x3FBA];
	_ =	sdelay $0x3  }
0x34: {  	[smem:$0x3FBA] =	sst s10  }
0x35: {  	s10 =	sld [smem:$0x3FB9];
	_ =	sdelay $0x3  }
0x36: {  	p1 =	seq.s32 s10, $0x1;
	s10 =	sld [smem:$0x3FBA];
	_ =	sdelay $0x3  }
0x37: {  	[smem:$0x3FBA] =	sst s10  }
0x38: {  	s10 =	sld [smem:$0x3FBB]  }
0x39: {  	_ = 	snop;
	(pc) =	sbr.ind lr, $3  }
0x3a: {  	_ = 	snop  }
0x3b: {  	_ = 	snop  }
0x3c: {  	p2 =	seq.s32 s10, $0x1;
	s10 =	sld [smem:$0x3FBA]  }
0x3d: {  	_ =	shalt  }
0x3e: {  	_ =	shalt  }
0x3f: {  	_ =	shalt  }
0x40: {  	_ =	shalt  }
0x41: {  	_ =	shalt  }
0x42: {  	_ =	shalt  }
0x43: {  	_ =	shalt  }
0x44: {  	_ =	shalt  }
0x45: {  	_ =	shalt  }
0x46: {  	_ =	shalt  }
0x47: {  	_ =	shalt  }
0x48: {  	_ =	shalt  }
0x49: {  	_ =	shalt  }
0x4a: {  	_ =	shalt  }
0x4b: {  	_ =	shalt  }
0x4c: {  	_ =	shalt  }
0x4d: {  	_ =	shalt  }
0x4e: {  	_ =	shalt  }
0x4f: {  	_ =	shalt  }
0x50: {  	_ =	shalt  }
0x51: {  	_ =	shalt  }
0x52: {  	_ =	shalt  }
0x53: {  	_ =	shalt  }
0x54: {  	_ =	shalt  }
0x55: {  	_ =	shalt  }
0x56: {  	_ =	shalt  }
0x57: {  	_ =	shalt  }
0x58: {  	_ =	shalt  }
0x59: {  	_ =	shalt  }
0x5a: {  	_ =	shalt  }
0x5b: {  	_ =	shalt  }
0x5c: {  	_ =	shalt  }
0x5d: {  	_ =	shalt  }
0x5e: {  	_ =	shalt  }
0x5f: {  	_ =	shalt  }
0x60: {  	_ =	shalt  }
0x61: {  	_ =	shalt  }
0x62: {  	_ =	shalt  }
0x63: {  	_ =	shalt  }
0x64: {  	_ =	shalt  }
0x65: {  	_ =	shalt  }
0x66: {  	_ =	shalt  }
0x67: {  	_ =	shalt  }
0x68: {  	_ =	shalt  }
0x69: {  	_ =	shalt  }
0x6a: {  	_ =	shalt  }
0x6b: {  	_ =	shalt  }
0x6c: {  	_ =	shalt  }
0x6d: {  	_ =	shalt  }
0x6e: {  	_ =	shalt  }
0x6f: {  	_ =	shalt  }
0x70: {  	_ =	shalt  }
0x71: {  	_ =	shalt  }
0x72: {  	_ =	shalt  }
0x73: {  	_ =	shalt  }
0x74: {  	_ =	shalt  }
0x75: {  	_ =	shalt  }
0x76: {  	_ =	shalt  }
0x77: {  	_ =	shalt  }
0x78: {  	_ =	shalt  }
0x79: {  	_ =	shalt  }
0x7a: {  	_ =	shalt  }
0x7b: {  	_ =	shalt  }
0x7c: {  	_ =	shalt  }
0x7d: {  	_ =	shalt  }
0x7e: {  	_ =	shalt  }
0x7f: {  	_ =	shalt  }
0x80: {  	_ =	shalt  }
0x81: {  	_ =	shalt  }
0x82: {  	_ =	shalt  }
0x83: {  	_ =	shalt  }
0x84: {  	_ =	shalt  }
0x85: {  	_ =	shalt  }
0x86: {  	_ =	shalt  }
0x87: {  	_ =	shalt  }
.Lfunc_end0:
.L_simem_size_0:
called_computation.1_lowered:
.L_overlay_start_0:
0x88: {  	s2 =	sld [smem:$0x3FD9]  }
0x89: {  	s3 =	sld [smem:$0x3FFE];
	_ =	sdelay $0x1  }
0x8a: {  	s1 =	srdreg.scid  }
0x8b: {  	s0 =	sand.u32 $0x1, s1  }
0x8c: {  	s17 =	sshll.u32 s0, $0xA;
	s2 =	sadd.s32 s3, s2  }
0x8d: {  	s2 =	sadd.s32 s2, s17  }
0x8e: {  	[smem:$0x3FC6] =	sst s2  }
0x8f: {  	_ = 	snop  }
0x90: {  	s2 =	sld [smem:$0x3FC9]  }
0x91: {  	s18 =	sld [smem:$0x3FD0];
	(tm) =	ssettm $0x1  }
0x92: {  	s4 =	sld [smem:$0x3FFB];
	_ =	sdelay $0x3  }
0x93: {  	_ =	strace s4  }
0x94: {  	s4 =	sld [smem:$0x3FFC];
	_ =	sdelay $0x3  }
0x95: {  	_ =	strace s4  }
0x96: {  	s4 =	sld [smem:$0x3FFD];
	_ =	sdelay $0x3  }
0x97: {  	_ =	strace s4  }
0x98: {  	_ =	strace $0x8FFFFFFF  }
0x99: {  	s19 =	sld [smem:$0x3FDB];
	_ =	sdelay $0x1  }
0x9a: {  	s5 =	simm.s32 $_scs_section_size  }
0x9b: {  	s6 =	simm.s32 $_size__tile_overlayer_lowered;
	s7 =	simm.s32 $_tile_overlayer_lowered  }
0x9c: {  	s22 =	simm.s32 $0x1BFF;
	s21 =	sshll.u32 s7, $0x1;
	s4 =	sadd.s32 s5, s19  }
0x9d: {  	s8 =	simm.s32 $0x0;
	s20 =	sshll.u32 s6, $0x1;
	s6 =	sadd.s32 s21, s4  }
0x9e: {  	[timem:s8], [sflag:s22] =	dma.local [hbm:s6], s20  }
0x9f: {  	_ =	swait.ge [sflag:s22], s20  }
0xa0: {  	s5 =	ssub.s32 $0x0, s20;
	[sflag:s22] =	ssyncset.done $0x0  }
0xa1: {  	[sflag:s22] =	ssyncadd.s32 s5;
	_ =	sdelay $0x1  }
0xa2: {  	s23 =	simm.s32 $0x1B8B  }
0xa3: {  	_ =	swait.ge [sflag:s23], $0x1  }
0xa4: {  	[sflag:s23] =	ssyncset.done $0x0  }
0xa5: {  	s25 =	simm.s32 $0x1B8E;
	s24 =	sld [smem:$0x3FFE];
	[sflag:s23] =	ssyncadd.s32 $0xFFFFFFFF  }
0xa6: {  	s26 =	simm.s32 $execute0_lowered;
	[smem:$0x3FD2] =	sst s25  }
0xa7: {  	s6 =	sshll.u32 s26, $0x1;
	_ =	strace $0x80000046;
	[dreg:$0x1] =	wrdreg $0xFFFFFFFF  }
0xa8: {  	s28 =	simm.s32 $_size_execute0_lowered;
	s4 =	sadd.s32 s4, s6;
	[dreg:$0x0] =	wrdreg $0x0  }
0xa9: {  	s6 =	sshll.u32 s28, $0x1;
	[dreg:$0x2] =	wrdreg s4  }
0xaa: {  	[dreg:$0x3] =	wrdreg s6  }
0xab: {  	[dreg:$0x4] =	wrdreg $0xC0  }
0xac: {  	_ =	task [dreg:s8], $0x5FFFF  }
0xad: {  	[dreg:$0x1] =	wrdreg $0xFFFFFFFF  }
0xae: {  	[dreg:$0x0] =	wrdreg $0x60  }
0xaf: {  	[dreg:$0x2] =	wrdreg s2  }
0xb0: {  	[dreg:$0x3] =	wrdreg s24  }
0xb1: {  	[dreg:$0x4] =	wrdreg s18  }
0xb2: {  	[dreg:$0x5] =	wrdreg $0x9  }
0xb3: {  	_ =	task.clear_ibuf [dreg:s8], $0x6FFFF;
	_ =	strace $0x90000046  }
0xb4: {  	s29 =	simm.s32 $0x9;
	_ =	strace $0x80000048  }
0xb5: {  	_ =	swait.ge [sflag:s29], $0x1  }
0xb6: {  	[sflag:s29] =	ssyncadd.s32 $0xFFFFFFFF  }
0xb7: {  	_ =	strace $0x90000048  }
0xb8: {  	_ =	sfence  }
0xb9: {  	s30 =	sld [smem:$0x0];
	_ =	sdelay $0x2  }
0xba: {  	s31 =	sshll.u32 s1, $0xD;
	s1 =	sshrl.u32 s1, $0x2  }
0xbb: {  	s3 =	sand.u32 $0x4000, s31;
	s1 =	sadd.s32 s1, s30  }
0xbc: {  	s0 =	sor.u32 s3, s0;
	s1 =	sshll.u32 s1, $0x11  }
0xbd: {  	s0 =	sor.u32 s1, s0  }
0xbe: {  	s0 =	sadd.s32 $0x8F2B, s0  }
0xbf: {  	[sflag:s0] =	ssyncadd.remote.s32 $0x1  }
0xc0: {  	_ =	sfence.sel $0xFFFF  }
0xc1: {  	[dreg:$0x0] =	wrdreg $0xFFFFFFFF;
	(pc) =	sbr.abs _section_cstart, $3  }
0xc2: {  	[dreg:$0x1] =	wrdreg $0xFFFFFFFF  }
0xc3: {  	_ =	task.clear_ibuf [dreg:s8], $0x2FFFF;
	_ =	strace $0x9FFFFFFF  }
0xc4: {  	(tm) =	ssettm $0x7FFFFFFF  }
0xc5: {  	_ =	shalt  }
tec
execute0_lowered:
.L_overlay_start_1:
0x0: {  	(tag) =	ssettag $0x1  }
0x1: {  	s0 =	rddreg [dreg:$0x0]  }
0x2: {  	s1 =	srdreg.scid;
	s2 =	rddreg [dreg:$0x1]  }
0x3: {  	s4 =	stileid.u32;
	s10 =	rddreg [dreg:$0x2];
	s29 =	simm.s32 $0x12400  }
0x4: {  	s31 =	simm.s32 $0x14400;
	s28 =	simm.s32 $0xB;
	s30 =	simm.s32 $0x5  }
0x5: {  	s1 =	sand.u32 $0x1, s1;
	s3 =	sshll.u32 s4, $0x1;
	s7 =	smul.u32 $0xC800, s4  }
0x6: {  	s5 =	sor.u32 s1, s3;
	s8 =	ssub.s32 $0x2, s1;
	s1 =	smul.u32 $0x6400, s1  }
0x7: {  	s4 =	sadd.s32 $0xF42C00, s2;
	s3 =	simm.s32 $0x0;
	s6 =	smul.u32 $0x6400, s5  }
0x8: {  	[smem:$0x7FF] =	sst s3;
	s26 =	sshrl.u32 s8, $0x1;
	s9 =	smul.u32 $0x32000, s5  }
0x9: {  	s5 =	smul.u32 $0x190000, s5;
	_ =	strace $0x80000047;
	s1 =	sadd.s32 s1, s7  }
0xa: {  	s2 =	ssub.s32 s8, s26;
	s7 =	simm.s32 $0xD;
	s11 =	sadd.s32 s10, s9  }
0xb: {  	s6 =	sshrl.u32 s6, $0x3;
	s26 =	smax.u32 s2, $0x1;
	[dreg:$0xd] =	wrdreg s11  }
0xc: {  	s8 =	sshll.u32 s1, $0x3;
	s0 =	sadd.s32 s0, s6;
	[dreg:$0x15] =	wrdreg s26  }
0xd: {  	s12 =	sshrl.u32 s5, $0x3;
	s13 =	sor.u32 $0x1C00, s8;
	[dreg:$0xc] =	wrdreg s0  }
0xe: {  	s5 =	simm.s32 $0xC;
	s14 =	sor.u32 $0x1800, s8;
	[dreg:$0x4] =	wrdreg s13  }
0xf: {  	s9 =	simm.s32 $0xE;
	s16 =	sor.u32 $0x1400, s8;
	[dreg:$0x5] =	wrdreg s14  }
0x10: {  	s1 =	sadd.s32 s10, s12;
	s18 =	sor.u32 $0x1000, s8;
	[dreg:$0x6] =	wrdreg s16  }
0x11: {  	s20 =	sor.u32 $0xC00, s8;
	s22 =	sor.u32 $0x800, s8;
	[dreg:$0x7] =	wrdreg s18  }
0x12: {  	s24 =	sor.u32 $0x400, s8;
	s26 =	simm.s32 $0x10400;
	[dreg:$0x8] =	wrdreg s20  }
0x13: {  	s6 =	simm.s32 $0x6;
	s10 =	simm.s32 $0x8;
	[dreg:$0x9] =	wrdreg s22  }
0x14: {  	s11 =	simm.s32 $0xF;
	s15 =	sadd.s32 $0x30400, s1;
	[dreg:$0xa] =	wrdreg s24  }
0x15: {  	s12 =	simm.s32 $0x10;
	s17 =	sadd.s32 $0x30800, s1;
	[dreg:$0xe] =	wrdreg s15  }
0x16: {  	s19 =	sadd.s32 $0x30C00, s1;
	s21 =	sadd.s32 $0x31000, s1;
	[dreg:$0xf] =	wrdreg s17  }
0x17: {  	s23 =	sadd.s32 $0x31400, s1;
	s25 =	sadd.s32 $0x31800, s1;
	[dreg:$0x10] =	wrdreg s19  }
0x18: {  	s0 =	sadd.s32 $0x2000, s8;
	s1 =	sadd.s32 $0x31C00, s1;
	[dreg:$0x11] =	wrdreg s21  }
0x19: {  	s16 =	simm.s32 $0x80;
	s18 =	simm.s32 $0x8400;
	[dreg:$0x12] =	wrdreg s23  }
0x1a: {  	s20 =	simm.s32 $0xA400;
	s22 =	simm.s32 $0xC400;
	[dreg:$0x13] =	wrdreg s25  }
0x1b: {  	s24 =	simm.s32 $0xE400;
	s8 =	simm.s32 $0x7;
	[dreg:$0x14] =	wrdreg s1  }
0x1c: {  	s13 =	simm.s32 $0x0;
	[dreg:$0xb] =	wrdreg s0;
	s17 =	simm.s32 $0x6400  }
0x1d: {  	s1 =	simm.s32 $0x1;
	s0 =	simm.s32 $0x2;
	s19 =	simm.s32 $0x9  }
0x1e: {  	s21 =	simm.s32 $0x3;
	s23 =	simm.s32 $0xA;
	s25 =	simm.s32 $0x4  }
.LBB2_1:
0x1f: {  	[dreg:$0x16] =	wrdreg s13  }
0x20: {  	s2 =	rddreg [dreg:$0xc];
	s13 =	simm.s32 $0x11  }
0x21: {  	[tilespmem:s3], [sflag:$0x11] =	stream.linear.gather [hbm4b:s2+s3], $0x6400, $0x38;
	[tilespmem:$0x16400] =	vst v63  }
0x22: {  	_ =	swait.ge [sflag:s13], $0x6400  }
0x23: {  	[sflag:s13] =	ssyncset.done $0x0  }
0x24: {  	[sflag:s13] =	ssyncadd.s32 $0xFFFF9C00  }
0x25: {  	[tilespmem:s17], [sflag:$0x1] =	stream.indirect.gather [hbm4b:s4+s16], $0x40, s3, s16, $0xb8;
	[tilespmem:$0x16400] =	vst v63  }
0x26: {  	_ = 	snop  }
0x27: {  	[tilespmem:s18], [sflag:$0x2] =	stream.indirect.gather [hbm4b:s4+s16], $0x40, s16, s16, $0xb8;
	[tilespmem:$0x16400] =	vst v63  }
0x28: {  	s14 =	simm.s32 $0x100  }
0x29: {  	[tilespmem:s20], [sflag:$0x3] =	stream.indirect.gather [hbm4b:s4+s16], $0x40, s14, s16, $0xb8;
	[tilespmem:$0x16400] =	vst v63  }
0x2a: {  	s15 =	simm.s32 $0x180  }
0x2b: {  	[tilespmem:s22], [sflag:$0x4] =	stream.indirect.gather [hbm4b:s4+s16], $0x40, s15, s16, $0xb8;
	[tilespmem:$0x16400] =	vst v63  }
0x2c: {  	s13 =	simm.s32 $0x200  }
0x2d: {  	[tilespmem:s24], [sflag:$0x5] =	stream.indirect.gather [hbm4b:s4+s16], $0x40, s13, s16, $0xb8;
	[tilespmem:$0x16400] =	vst v63  }
0x2e: {  	s14 =	simm.s32 $0x280  }
0x2f: {  	[tilespmem:s26], [sflag:$0x6] =	stream.indirect.gather [hbm4b:s4+s16], $0x40, s14, s16, $0xb8;
	[tilespmem:$0x16400] =	vst v63  }
0x30: {  	s15 =	simm.s32 $0x300  }
0x31: {  	[tilespmem:s29], [sflag:$0x7] =	stream.indirect.gather [hbm4b:s4+s16], $0x40, s15, s16, $0xb8;
	[tilespmem:$0x16400] =	vst v63  }
0x32: {  	s13 =	simm.s32 $0x380  }
0x33: {  	[tilespmem:s31], [sflag:$0x8] =	stream.indirect.gather [hbm4b:s4+s16], $0x40, s13, s16, $0xb8;
	[tilespmem:$0x16400] =	vst v63  }
0x34: {  	_ =	swait.ge [sflag:s1], $0x2000  }
0x35: {  	[sflag:s1] =	ssyncset.done $0x0  }
0x36: {  	s14 =	rddreg [dreg:$0xd];
	[sflag:s1] =	ssyncadd.s32 $0xFFFFE000  }
0x37: {  	[hbm4b:s14+s3] =	stream.linear.scatter [tilespmem:s17], [sflag:$0x9], $0x2000, $0x38;
	[tilespmem:$0x16400] =	vst v63  }
0x38: {  	_ =	swait.ge [sflag:s0], $0x2000  }
0x39: {  	[sflag:s0] =	ssyncset.done $0x0  }
0x3a: {  	s15 =	rddreg [dreg:$0xa];
	[sflag:s0] =	ssyncadd.s32 $0xFFFFE000  }
0x3b: {  	s13 =	rddreg [dreg:$0x2]  }
0x3c: {  	s2 =	sadd.s32 s13, s15  }
0x3d: {  	[hbm4b:s2+s3] =	stream.linear.scatter [tilespmem:s18], [sflag:$0xA], $0x2000, $0x38;
	[tilespmem:$0x16400] =	vst v63  }
0x3e: {  	_ =	swait.ge [sflag:s19], $0x2000  }
0x3f: {  	[sflag:s19] =	ssyncset.done $0x0  }
0x40: {  	s14 =	simm.s32 $0x400;
	[sflag:s19] =	ssyncadd.s32 $0xFFFFE000  }
0x41: {  	[tilespmem:s17], [sflag:$0x1] =	stream.indirect.gather [hbm4b:s4+s16], $0x40, s14, s16, $0xb8;
	[tilespmem:$0x16400] =	vst v63  }
0x42: {  	_ =	swait.ge [sflag:s21], $0x2000  }
0x43: {  	s15 =	rddreg [dreg:$0x9];
	[sflag:s21] =	ssyncset.done $0x0  }
0x44: {  	[sflag:s21] =	ssyncadd.s32 $0xFFFFE000;
	s2 =	sadd.s32 s13, s15  }
0x45: {  	[hbm4b:s2+s3] =	stream.linear.scatter [tilespmem:s20], [sflag:$0xB], $0x2000, $0x38;
	[tilespmem:$0x16400] =	vst v63  }
0x46: {  	_ =	swait.ge [sflag:s23], $0x2000  }
0x47: {  	[sflag:s23] =	ssyncset.done $0x0  }
0x48: {  	s14 =	simm.s32 $0x480;
	[sflag:s23] =	ssyncadd.s32 $0xFFFFE000  }
0x49: {  	[tilespmem:s18], [sflag:$0x2] =	stream.indirect.gather [hbm4b:s4+s16], $0x40, s14, s16, $0xb8;
	[tilespmem:$0x16400] =	vst v63  }
0x4a: {  	_ =	swait.ge [sflag:s25], $0x2000  }
0x4b: {  	s15 =	rddreg [dreg:$0x8];
	[sflag:s25] =	ssyncset.done $0x0  }
0x4c: {  	[sflag:s25] =	ssyncadd.s32 $0xFFFFE000;
	s2 =	sadd.s32 s13, s15  }
0x4d: {  	[hbm4b:s2+s3] =	stream.linear.scatter [tilespmem:s22], [sflag:$0xC], $0x2000, $0x38;
	[tilespmem:$0x16400] =	vst v63  }
0x4e: {  	_ =	swait.ge [sflag:s28], $0x2000  }
0x4f: {  	[sflag:s28] =	ssyncset.done $0x0  }
0x50: {  	s14 =	simm.s32 $0x500;
	[sflag:s28] =	ssyncadd.s32 $0xFFFFE000  }
0x51: {  	[tilespmem:s20], [sflag:$0x3] =	stream.indirect.gather [hbm4b:s4+s16], $0x40, s14, s16, $0xb8;
	[tilespmem:$0x16400] =	vst v63  }
0x52: {  	_ =	swait.ge [sflag:s30], $0x2000  }
0x53: {  	s15 =	rddreg [dreg:$0x7];
	[sflag:s30] =	ssyncset.done $0x0  }
0x54: {  	[sflag:s30] =	ssyncadd.s32 $0xFFFFE000;
	s2 =	sadd.s32 s13, s15  }
0x55: {  	[hbm4b:s2+s3] =	stream.linear.scatter [tilespmem:s24], [sflag:$0xD], $0x2000, $0x38;
	[tilespmem:$0x16400] =	vst v63  }
0x56: {  	_ =	swait.ge [sflag:s5], $0x2000  }
0x57: {  	[sflag:s5] =	ssyncset.done $0x0  }
0x58: {  	s14 =	simm.s32 $0x580;
	[sflag:s5] =	ssyncadd.s32 $0xFFFFE000  }
0x59: {  	[tilespmem:s22], [sflag:$0x4] =	stream.indirect.gather [hbm4b:s4+s16], $0x40, s14, s16, $0xb8;
	[tilespmem:$0x16400] =	vst v63  }
0x5a: {  	_ =	swait.ge [sflag:s6], $0x2000  }
0x5b: {  	s15 =	rddreg [dreg:$0x6];
	[sflag:s6] =	ssyncset.done $0x0  }
0x5c: {  	[sflag:s6] =	ssyncadd.s32 $0xFFFFE000;
	s2 =	sadd.s32 s13, s15  }
0x5d: {  	[hbm4b:s2+s3] =	stream.linear.scatter [tilespmem:s26], [sflag:$0xE], $0x2000, $0x38;
	[tilespmem:$0x16400] =	vst v63  }
0x5e: {  	_ =	swait.ge [sflag:s7], $0x2000  }
0x5f: {  	[sflag:s7] =	ssyncset.done $0x0  }
0x60: {  	s14 =	simm.s32 $0x600;
	[sflag:s7] =	ssyncadd.s32 $0xFFFFE000  }
0x61: {  	[tilespmem:s24], [sflag:$0x5] =	stream.indirect.gather [hbm4b:s4+s16], $0x40, s14, s16, $0xb8;
	[tilespmem:$0x16400] =	vst v63  }
0x62: {  	_ =	swait.ge [sflag:s8], $0x2000  }
0x63: {  	s15 =	rddreg [dreg:$0x5];
	[sflag:s8] =	ssyncset.done $0x0  }
0x64: {  	[sflag:s8] =	ssyncadd.s32 $0xFFFFE000;
	s2 =	sadd.s32 s13, s15  }
0x65: {  	[hbm4b:s2+s3] =	stream.linear.scatter [tilespmem:s29], [sflag:$0xF], $0x2000, $0x38;
	[tilespmem:$0x16400] =	vst v63  }
0x66: {  	_ =	swait.ge [sflag:s9], $0x2000  }
0x67: {  	[sflag:s9] =	ssyncset.done $0x0  }
0x68: {  	s14 =	simm.s32 $0x680;
	[sflag:s9] =	ssyncadd.s32 $0xFFFFE000  }
0x69: {  	[tilespmem:s26], [sflag:$0x6] =	stream.indirect.gather [hbm4b:s4+s16], $0x40, s14, s16, $0xb8;
	[tilespmem:$0x16400] =	vst v63  }
0x6a: {  	_ =	swait.ge [sflag:s10], $0x2000  }
0x6b: {  	s15 =	rddreg [dreg:$0x4];
	[sflag:s10] =	ssyncset.done $0x0  }
0x6c: {  	[sflag:s10] =	ssyncadd.s32 $0xFFFFE000;
	s2 =	sadd.s32 s13, s15  }
0x6d: {  	[hbm4b:s2+s3] =	stream.linear.scatter [tilespmem:s31], [sflag:$0x10], $0x2000, $0x38;
	[tilespmem:$0x16400] =	vst v63  }
0x6e: {  	_ =	swait.ge [sflag:s11], $0x2000  }
0x6f: {  	[sflag:s11] =	ssyncset.done $0x0  }
0x70: {  	s14 =	simm.s32 $0x700;
	[sflag:s11] =	ssyncadd.s32 $0xFFFFE000  }
0x71: {  	[tilespmem:s29], [sflag:$0x7] =	stream.indirect.gather [hbm4b:s4+s16], $0x40, s14, s16, $0xb8;
	[tilespmem:$0x16400] =	vst v63  }
0x72: {  	_ =	swait.ge [sflag:s1], $0x2000  }
0x73: {  	s15 =	rddreg [dreg:$0xb];
	[sflag:s1] =	ssyncset.done $0x0  }
0x74: {  	[sflag:s1] =	ssyncadd.s32 $0xFFFFE000;
	s2 =	sadd.s32 s13, s15  }
0x75: {  	[hbm4b:s2+s3] =	stream.linear.scatter [tilespmem:s17], [sflag:$0x9], $0x2000, $0x38;
	[tilespmem:$0x16400] =	vst v63  }
0x76: {  	_ =	swait.ge [sflag:s12], $0x2000  }
0x77: {  	s14 =	simm.s32 $0x1000;
	[sflag:s12] =	ssyncset.done $0x0  }
0x78: {  	s15 =	sadd.s32 $0x2000, s13;
	s2 =	simm.s32 $0x780;
	[sflag:s12] =	ssyncadd.s32 $0xFFFFE000  }
.LBB2_2:
0x79: {  	[tilespmem:s31], [sflag:$0x8] =	stream.indirect.gather [hbm4b:s4+s16], $0x40, s2, s16, $0xb8;
	[tilespmem:$0x16400] =	vst v63  }
0x7a: {  	_ =	swait.ge [sflag:s0], $0x2000  }
0x7b: {  	s13 =	rddreg [dreg:$0xa];
	[sflag:s0] =	ssyncset.done $0x0  }
0x7c: {  	[sflag:s0] =	ssyncadd.s32 $0xFFFFE000;
	s13 =	sadd.s32 s15, s13  }
0x7d: {  	[hbm4b:s13+s3] =	stream.linear.scatter [tilespmem:s18], [sflag:$0xA], $0x2000, $0x38;
	[tilespmem:$0x16400] =	vst v63  }
0x7e: {  	s2 =	smov.u32 s14;
	_ =	swait.ge [sflag:s19], $0x2000  }
0x7f: {  	s2 =	sshra.s32 s2, $0x2;
	[sflag:s19] =	ssyncset.done $0x0  }
0x80: {  	s13 =	sadd.s32 $0x400, s2;
	[sflag:s19] =	ssyncadd.s32 $0xFFFFE000  }
0x81: {  	[tilespmem:s17], [sflag:$0x1] =	stream.indirect.gather [hbm4b:s4+s16], $0x40, s13, s16, $0xb8;
	[tilespmem:$0x16400] =	vst v63  }
0x82: {  	_ =	swait.ge [sflag:s21], $0x2000  }
0x83: {  	s13 =	rddreg [dreg:$0x9];
	[sflag:s21] =	ssyncset.done $0x0  }
0x84: {  	[sflag:s21] =	ssyncadd.s32 $0xFFFFE000;
	s13 =	sadd.s32 s15, s13  }
0x85: {  	[hbm4b:s13+s3] =	stream.linear.scatter [tilespmem:s20], [sflag:$0xB], $0x2000, $0x38;
	[tilespmem:$0x16400] =	vst v63  }
0x86: {  	_ =	swait.ge [sflag:s23], $0x2000  }
0x87: {  	[sflag:s23] =	ssyncset.done $0x0  }
0x88: {  	s13 =	sadd.s32 $0x480, s2;
	[sflag:s23] =	ssyncadd.s32 $0xFFFFE000  }
0x89: {  	[tilespmem:s18], [sflag:$0x2] =	stream.indirect.gather [hbm4b:s4+s16], $0x40, s13, s16, $0xb8;
	[tilespmem:$0x16400] =	vst v63  }
0x8a: {  	_ =	swait.ge [sflag:s25], $0x2000  }
0x8b: {  	s13 =	rddreg [dreg:$0x8];
	[sflag:s25] =	ssyncset.done $0x0  }
0x8c: {  	[sflag:s25] =	ssyncadd.s32 $0xFFFFE000;
	s13 =	sadd.s32 s15, s13  }
0x8d: {  	[hbm4b:s13+s3] =	stream.linear.scatter [tilespmem:s22], [sflag:$0xC], $0x2000, $0x38;
	[tilespmem:$0x16400] =	vst v63  }
0x8e: {  	_ =	swait.ge [sflag:s28], $0x2000  }
0x8f: {  	[sflag:s28] =	ssyncset.done $0x0  }
0x90: {  	s13 =	sadd.s32 $0x500, s2;
	[sflag:s28] =	ssyncadd.s32 $0xFFFFE000  }
0x91: {  	[tilespmem:s20], [sflag:$0x3] =	stream.indirect.gather [hbm4b:s4+s16], $0x40, s13, s16, $0xb8;
	[tilespmem:$0x16400] =	vst v63  }
0x92: {  	_ =	swait.ge [sflag:s30], $0x2000  }
0x93: {  	s13 =	rddreg [dreg:$0x7];
	[sflag:s30] =	ssyncset.done $0x0  }
0x94: {  	[sflag:s30] =	ssyncadd.s32 $0xFFFFE000;
	s13 =	sadd.s32 s15, s13  }
0x95: {  	[hbm4b:s13+s3] =	stream.linear.scatter [tilespmem:s24], [sflag:$0xD], $0x2000, $0x38;
	[tilespmem:$0x16400] =	vst v63  }
0x96: {  	_ =	swait.ge [sflag:s5], $0x2000  }
0x97: {  	[sflag:s5] =	ssyncset.done $0x0  }
0x98: {  	s13 =	sadd.s32 $0x580, s2;
	[sflag:s5] =	ssyncadd.s32 $0xFFFFE000  }
0x99: {  	[tilespmem:s22], [sflag:$0x4] =	stream.indirect.gather [hbm4b:s4+s16], $0x40, s13, s16, $0xb8;
	[tilespmem:$0x16400] =	vst v63  }
0x9a: {  	_ =	swait.ge [sflag:s6], $0x2000  }
0x9b: {  	s13 =	rddreg [dreg:$0x6];
	[sflag:s6] =	ssyncset.done $0x0  }
0x9c: {  	[sflag:s6] =	ssyncadd.s32 $0xFFFFE000;
	s13 =	sadd.s32 s15, s13  }
0x9d: {  	[hbm4b:s13+s3] =	stream.linear.scatter [tilespmem:s26], [sflag:$0xE], $0x2000, $0x38;
	[tilespmem:$0x16400] =	vst v63  }
0x9e: {  	_ =	swait.ge [sflag:s7], $0x2000  }
0x9f: {  	[sflag:s7] =	ssyncset.done $0x0  }
0xa0: {  	s13 =	sadd.s32 $0x600, s2;
	[sflag:s7] =	ssyncadd.s32 $0xFFFFE000  }
0xa1: {  	[tilespmem:s24], [sflag:$0x5] =	stream.indirect.gather [hbm4b:s4+s16], $0x40, s13, s16, $0xb8;
	[tilespmem:$0x16400] =	vst v63  }
0xa2: {  	_ =	swait.ge [sflag:s8], $0x2000  }
0xa3: {  	s13 =	rddreg [dreg:$0x5];
	[sflag:s8] =	ssyncset.done $0x0  }
0xa4: {  	[sflag:s8] =	ssyncadd.s32 $0xFFFFE000;
	s13 =	sadd.s32 s15, s13  }
0xa5: {  	[hbm4b:s13+s3] =	stream.linear.scatter [tilespmem:s29], [sflag:$0xF], $0x2000, $0x38;
	[tilespmem:$0x16400] =	vst v63  }
0xa6: {  	_ =	swait.ge [sflag:s9], $0x2000  }
0xa7: {  	[sflag:s9] =	ssyncset.done $0x0  }
0xa8: {  	s13 =	sadd.s32 $0x680, s2;
	[sflag:s9] =	ssyncadd.s32 $0xFFFFE000  }
0xa9: {  	[tilespmem:s26], [sflag:$0x6] =	stream.indirect.gather [hbm4b:s4+s16], $0x40, s13, s16, $0xb8;
	[tilespmem:$0x16400] =	vst v63  }
0xaa: {  	_ =	swait.ge [sflag:s10], $0x2000  }
0xab: {  	s13 =	rddreg [dreg:$0x4];
	[sflag:s10] =	ssyncset.done $0x0  }
0xac: {  	[sflag:s10] =	ssyncadd.s32 $0xFFFFE000;
	s13 =	sadd.s32 s15, s13  }
0xad: {  	[hbm4b:s13+s3] =	stream.linear.scatter [tilespmem:s31], [sflag:$0x10], $0x2000, $0x38;
	[tilespmem:$0x16400] =	vst v63  }
0xae: {  	_ =	swait.ge [sflag:s11], $0x2000  }
0xaf: {  	[sflag:s11] =	ssyncset.done $0x0  }
0xb0: {  	s13 =	sadd.s32 $0x700, s2;
	[sflag:s11] =	ssyncadd.s32 $0xFFFFE000  }
0xb1: {  	[tilespmem:s29], [sflag:$0x7] =	stream.indirect.gather [hbm4b:s4+s16], $0x40, s13, s16, $0xb8;
	[tilespmem:$0x16400] =	vst v63  }
0xb2: {  	_ =	swait.ge [sflag:s1], $0x2000  }
0xb3: {  	p0 =	sne.s32 s14, $0x17000;
	s13 =	rddreg [dreg:$0xb];
	[sflag:s1] =	ssyncset.done $0x0  }
.Ltmp0:
0xb4: {  	[sflag:s1] =	ssyncadd.s32 $0xFFFFE000;
	s13 =	sadd.s32 s15, s13;
	(pc) =	sbr.rel @p0 .LBB2_2-.Ltmp0, $4  }
0xb5: {  	[hbm4b:s13+s3] =	stream.linear.scatter [tilespmem:s17], [sflag:$0x9], $0x2000, $0x38;
	[tilespmem:$0x16400] =	vst v63  }
0xb6: {  	_ =	swait.ge [sflag:s12], $0x2000  }
0xb7: {  	s14 =	sadd.s32 $0x1000, s14;
	[sflag:s12] =	ssyncset.done $0x0  }
0xb8: {  	s2 =	sadd.s32 $0x780, s2;
	s15 =	sadd.s32 $0x2000, s15;
	[sflag:s12] =	ssyncadd.s32 $0xFFFFE000  }
0xb9: {  	[tilespmem:s31], [sflag:$0x8] =	stream.indirect.gather [hbm4b:s4+s16], $0x40, s2, s16, $0xb8;
	[tilespmem:$0x16400] =	vst v63  }
0xba: {  	_ =	swait.ge [sflag:s0], $0x2000  }
0xbb: {  	[sflag:s0] =	ssyncset.done $0x0  }
0xbc: {  	s14 =	rddreg [dreg:$0xe];
	[sflag:s0] =	ssyncadd.s32 $0xFFFFE000  }
0xbd: {  	[hbm4b:s14+s3] =	stream.linear.scatter [tilespmem:s18], [sflag:$0xA], $0x2000, $0x38;
	[tilespmem:$0x16400] =	vst v63  }
0xbe: {  	_ =	swait.ge [sflag:s21], $0x2000  }
0xbf: {  	[sflag:s21] =	ssyncset.done $0x0  }
0xc0: {  	s15 =	rddreg [dreg:$0xf];
	[sflag:s21] =	ssyncadd.s32 $0xFFFFE000  }
0xc1: {  	[hbm4b:s15+s3] =	stream.linear.scatter [tilespmem:s20], [sflag:$0xB], $0x2000, $0x38;
	[tilespmem:$0x16400] =	vst v63  }
0xc2: {  	_ =	swait.ge [sflag:s25], $0x2000  }
0xc3: {  	[sflag:s25] =	ssyncset.done $0x0  }
0xc4: {  	s13 =	rddreg [dreg:$0x10];
	[sflag:s25] =	ssyncadd.s32 $0xFFFFE000  }
0xc5: {  	[hbm4b:s13+s3] =	stream.linear.scatter [tilespmem:s22], [sflag:$0xC], $0x2000, $0x38;
	[tilespmem:$0x16400] =	vst v63  }
0xc6: {  	_ =	swait.ge [sflag:s30], $0x2000  }
0xc7: {  	[sflag:s30] =	ssyncset.done $0x0  }
0xc8: {  	s14 =	rddreg [dreg:$0x11];
	[sflag:s30] =	ssyncadd.s32 $0xFFFFE000  }
0xc9: {  	[hbm4b:s14+s3] =	stream.linear.scatter [tilespmem:s24], [sflag:$0xD], $0x2000, $0x38;
	[tilespmem:$0x16400] =	vst v63  }
0xca: {  	_ =	swait.ge [sflag:s6], $0x2000  }
0xcb: {  	[sflag:s6] =	ssyncset.done $0x0  }
0xcc: {  	s15 =	rddreg [dreg:$0x12];
	[sflag:s6] =	ssyncadd.s32 $0xFFFFE000  }
0xcd: {  	[hbm4b:s15+s3] =	stream.linear.scatter [tilespmem:s26], [sflag:$0xE], $0x2000, $0x38;
	[tilespmem:$0x16400] =	vst v63  }
0xce: {  	_ =	swait.ge [sflag:s8], $0x2000  }
0xcf: {  	[sflag:s8] =	ssyncset.done $0x0  }
0xd0: {  	s13 =	rddreg [dreg:$0x13];
	[sflag:s8] =	ssyncadd.s32 $0xFFFFE000  }
0xd1: {  	[hbm4b:s13+s3] =	stream.linear.scatter [tilespmem:s29], [sflag:$0xF], $0x2000, $0x38;
	[tilespmem:$0x16400] =	vst v63  }
0xd2: {  	_ =	swait.ge [sflag:s10], $0x2000  }
0xd3: {  	[sflag:s10] =	ssyncset.done $0x0  }
0xd4: {  	s14 =	rddreg [dreg:$0x14];
	[sflag:s10] =	ssyncadd.s32 $0xFFFFE000  }
0xd5: {  	[hbm4b:s14+s3] =	stream.linear.scatter [tilespmem:s31], [sflag:$0x10], $0x2000, $0x38;
	[tilespmem:$0x16400] =	vst v63  }
0xd6: {  	_ =	swait.ge [sflag:s19], $0x2000  }
0xd7: {  	[sflag:s19] =	ssyncset.done $0x0  }
0xd8: {  	[sflag:s19] =	ssyncadd.s32 $0xFFFFE000  }
0xd9: {  	_ =	swait.ge [sflag:s23], $0x2000  }
0xda: {  	[sflag:s23] =	ssyncset.done $0x0  }
0xdb: {  	[sflag:s23] =	ssyncadd.s32 $0xFFFFE000  }
0xdc: {  	_ =	swait.ge [sflag:s28], $0x2000  }
0xdd: {  	[sflag:s28] =	ssyncset.done $0x0  }
0xde: {  	[sflag:s28] =	ssyncadd.s32 $0xFFFFE000  }
0xdf: {  	_ =	swait.ge [sflag:s5], $0x2000  }
0xe0: {  	[sflag:s5] =	ssyncset.done $0x0  }
0xe1: {  	[sflag:s5] =	ssyncadd.s32 $0xFFFFE000  }
0xe2: {  	_ =	swait.ge [sflag:s7], $0x2000  }
0xe3: {  	[sflag:s7] =	ssyncset.done $0x0  }
0xe4: {  	[sflag:s7] =	ssyncadd.s32 $0xFFFFE000  }
0xe5: {  	_ =	swait.ge [sflag:s9], $0x2000  }
0xe6: {  	[sflag:s9] =	ssyncset.done $0x0  }
0xe7: {  	[sflag:s9] =	ssyncadd.s32 $0xFFFFE000  }
0xe8: {  	_ =	swait.ge [sflag:s11], $0x2000  }
0xe9: {  	[sflag:s11] =	ssyncset.done $0x0  }
0xea: {  	[sflag:s11] =	ssyncadd.s32 $0xFFFFE000  }
0xeb: {  	_ =	swait.ge [sflag:s12], $0x2000  }
0xec: {  	s13 =	rddreg [dreg:$0x16]  }
0xed: {  	s15 =	rddreg [dreg:$0x15];
	s13 =	sadd.s32 $0x1, s13  }
0xee: {  	p0 =	sne.s32 s13, s15  }
.Ltmp1:
0xef: {  	_ = 	snop;
	(pc) =	sbr.rel @p0 .LBB2_1-.Ltmp1, $3  }
0xf0: {  	_ =	sdelay $0x1  }
0xf1: {  	[sflag:s12] =	ssyncset.done $0x0  }
0xf2: {  	[sflag:s12] =	ssyncadd.s32 $0xFFFFE000  }
0xf3: {  	_ =	sfence.sel $0x180000  }
0xf4: {  	[bflag:$0x0] =	sbarrier.arrive $0xFFFF  }
0xf5: {  	_ =	strace $0x90000047  }
0xf6: {  	s0 =	stileid.u32;
	[bflag:$0x2] =	sbarrier.arrive $0xFFFF  }
0xf7: {  	p0 =	sne.s32 s0, $0x0;
	s0 =	rddreg [dreg:$0x3]  }
0xf8: {  	s0 =	sadd.s32 @!p0 $0x100000, s0  }
0xf9: {  	[sflag:s0] =	ssyncadd.tile.s32 @!p0 $0x1;
	_ =	shalt  }
.Lfunc_end2:
_tile_overlayer_lowered:
.L_overlay_start_2:
0xfa: {  	(tag) =	ssettag $0x2  }
0xfb: {  	s0 =	rddreg [dreg:$0x0];
	s2 =	stileid.u32  }
0xfc: {  	s1 =	rddreg [dreg:$0x1];
	p0 =	sne.s32 s2, $0x0  }
0xfd: {  	s3 =	rddreg [dreg:$0x2];
	[bflag:$0x3] =	sbarrier.arrive $0xFFFF;
	s2 =	simm.s32 @!p0 $0x1C11  }
0xfe: {  	[timem:s3], [sflag:s2] =	dma.local @!p0 [hbm:s0], s1  }
0xff: {  	s0 =	simm.s32 @!p0 $0x11  }
0x100: {  	_ =	swait.ge @!p0 [sflag:s0], s1  }
0x101: {  	s1 =	ssub.s32 @!p0 $0x0, s1;
	[sflag:s0] =	ssyncset.done @!p0 $0x0  }
0x102: {  	[sflag:s0] =	ssyncadd.s32 @!p0 s1  }
0x103: {  	[bflag:$0x3] =	sbarrier.arrive $0xFFFF  }
0x104: {  	_ =	shalt  }

// kernel: sparse-core-data-format-call.cloned.1.call-start
scs
called_computation_lowered:
.L_overlay_start_0:
0x0: {  	s2 =	sld [smem:$0x3FD9]  }
0x1: {  	s3 =	sld [smem:$0x3FFE];
	_ =	sdelay $0x1  }
0x2: {  	s1 =	srdreg.scid  }
0x3: {  	s0 =	sand.u32 $0x1, s1  }
0x4: {  	s18 =	sshll.u32 s0, $0xA;
	s2 =	sadd.s32 s3, s2  }
0x5: {  	s2 =	sadd.s32 s2, s18  }
0x6: {  	[smem:$0x3FC6] =	sst s2  }
0x7: {  	_ = 	snop  }
0x8: {  	s2 =	sld [smem:$0x3FD0];
	(tm) =	ssettm $0x1  }
0x9: {  	s19 =	sld [smem:$0x3FFB];
	_ =	sdelay $0x3  }
0xa: {  	_ =	strace s19  }
0xb: {  	s3 =	sld [smem:$0x3FFC];
	_ =	sdelay $0x3  }
0xc: {  	_ =	strace s3  }
0xd: {  	s3 =	sld [smem:$0x3FFD];
	_ =	sdelay $0x3  }
0xe: {  	_ =	strace s3  }
0xf: {  	_ =	strace $0x8FFFFFFF  }
0x10: {  	s20 =	sld [smem:$0x3FDB];
	_ =	sdelay $0x1  }
0x11: {  	s4 =	simm.s32 $_scs_section_size  }
0x12: {  	s5 =	simm.s32 $_size__tile_overlayer_lowered;
	s6 =	simm.s32 $_tile_overlayer_lowered  }
0x13: {  	s23 =	simm.s32 $0x1BFF;
	s22 =	sshll.u32 s6, $0x1;
	s3 =	sadd.s32 s4, s20  }
0x14: {  	s7 =	simm.s32 $0x0;
	s21 =	sshll.u32 s5, $0x1;
	s5 =	sadd.s32 s22, s3  }
0x15: {  	[timem:s7], [sflag:s23] =	dma.local [hbm:s5], s21  }
0x16: {  	_ =	swait.ge [sflag:s23], s21  }
0x17: {  	s4 =	ssub.s32 $0x0, s21;
	[sflag:s23] =	ssyncset.done $0x0  }
0x18: {  	[sflag:s23] =	ssyncadd.s32 s4;
	_ =	sdelay $0x1  }
0x19: {  	s24 =	simm.s32 $0x1B8B  }
0x1a: {  	_ =	swait.ge [sflag:s24], $0x1  }
0x1b: {  	[sflag:s24] =	ssyncset.done $0x0  }
0x1c: {  	s26 =	simm.s32 $0x1B8E;
	s25 =	sld [smem:$0x3FFE];
	[sflag:s24] =	ssyncadd.s32 $0xFFFFFFFF  }
0x1d: {  	s27 =	simm.s32 $execute0_lowered;
	[smem:$0x3FD2] =	sst s26  }
0x1e: {  	s5 =	sshll.u32 s27, $0x1;
	_ =	strace $0x80000049;
	[dreg:$0x1] =	wrdreg $0xFFFFFFFF  }
0x1f: {  	s28 =	simm.s32 $_size_execute0_lowered;
	s3 =	sadd.s32 s3, s5;
	[dreg:$0x0] =	wrdreg $0x0  }
0x20: {  	s5 =	sshll.u32 s28, $0x1;
	[dreg:$0x2] =	wrdreg s3  }
0x21: {  	[dreg:$0x3] =	wrdreg s5  }
0x22: {  	[dreg:$0x4] =	wrdreg $0xC0  }
0x23: {  	_ =	task [dreg:s7], $0x5FFFF  }
0x24: {  	[dreg:$0x1] =	wrdreg $0xFFFFFFFF  }
0x25: {  	[dreg:$0x0] =	wrdreg $0x60  }
0x26: {  	[dreg:$0x2] =	wrdreg s25  }
0x27: {  	[dreg:$0x3] =	wrdreg s2  }
0x28: {  	[dreg:$0x4] =	wrdreg $0x9  }
0x29: {  	_ =	task.clear_ibuf [dreg:s7], $0x5FFFF;
	_ =	strace $0x90000049  }
0x2a: {  	s29 =	simm.s32 $0x9;
	_ =	strace $0x8000004B  }
0x2b: {  	_ =	swait.ge [sflag:s29], $0x1  }
0x2c: {  	[sflag:s29] =	ssyncadd.s32 $0xFFFFFFFF  }
0x2d: {  	_ =	strace $0x9000004B  }
0x2e: {  	_ =	sfence  }
0x2f: {  	s30 =	sld [smem:$0x0];
	_ =	sdelay $0x2  }
0x30: {  	s31 =	sshll.u32 s1, $0xD;
	s1 =	sshrl.u32 s1, $0x2  }
0x31: {  	s3 =	sand.u32 $0x4000, s31;
	s1 =	sadd.s32 s1, s30  }
0x32: {  	s0 =	sor.u32 s3, s0;
	s1 =	sshll.u32 s1, $0x11  }
0x33: {  	s0 =	sor.u32 s1, s0  }
0x34: {  	s0 =	sadd.s32 $0x8F2B, s0  }
0x35: {  	[sflag:s0] =	ssyncadd.remote.s32 $0x1  }
0x36: {  	_ =	sfence.sel $0xFFFF  }
0x37: {  	[dreg:$0x0] =	wrdreg $0xFFFFFFFF;
	(pc) =	sbr.abs _section_cstart, $3  }
0x38: {  	[dreg:$0x1] =	wrdreg $0xFFFFFFFF  }
0x39: {  	_ =	task.clear_ibuf [dreg:s7], $0x2FFFF;
	_ =	strace $0x9FFFFFFF  }
0x3a: {  	(tm) =	ssettm $0x7FFFFFFF  }
0x3b: {  	_ =	shalt  }
tec
execute0_lowered:
.L_overlay_start_1:
0x0: {  	(tag) =	ssettag $0x1  }
0x1: {  	s0 =	srdreg.scid  }
0x2: {  	s1 =	sshll.u32 s0, $0x4  }
0x3: {  	s4 =	rddreg [dreg:$0x0];
	s0 =	stileid.u32;
	s1 =	sand.u32 $0x10, s1  }
0x4: {  	s2 =	rddreg [dreg:$0x1];
	s7 =	simm.s32 $0x1;
	s1 =	sor.u32 s0, s1  }
0x5: {  	s8 =	simm.s32 $0x2;
	s11 =	simm.s32 $0x0;
	s3 =	sshll.u32 s1, $0x7  }
0x6: {  	s10 =	simm.s32 $0x0;
	s4 =	sadd.s32 $0x800, s4;
	s6 =	ssub.s32 $0xC8000, s3  }
.Ltmp0:
0x7: {  	s1 =	rddreg [dreg:$0x2];
	s5 =	sand.u32 $0xF80, s6;
	(pc) =	sbr.rel .LBB1_1-.Ltmp0, $4  }
0x8: {  	_ =	strace $0x8000004A;
	s9 =	smov.u32 s3;
	p0 =	sne.s32 s5, $0x0  }
0x9: {  	s6 =	sshrl.u32 s6, $0xC;
	s5 =	simm.s32 $0x1;
	s7 =	simm.s32 @!p0 $0x0  }
0xa: {  	[sflag:s5] =	ssyncpa.u1 $0x0;
	p0 =	por $0x0, $0x0;
	s6 =	sadd.s32 s7, s6  }
0xb: {  	[sflag:s8] =	ssyncpa.u1 $0x0;
	s8 =	simm.s32 $0x640000;
	s7 =	sadd.s32 $0x1, s6  }
.LBB1_4:
0xc: {  	s14 =	sshll.u32 s11, $0x3  }
0xd: {  	s30 =	sand.u32 $0x7F, s11;
	s15 =	sand.u32 $0xFFFFFC00, s14  }
0xe: {  	s11 =	sor.u32 s30, s15  }
0xf: {  	s15 =	smulhi.u32 $0x51EB851F, s11  }
0x10: {  	s14 =	smulhi.u32 $0x51EB851F, s14  }
0x11: {  	s15 =	sshrl.u32 s15, $0x12  }
0x12: {  	s14 =	sshrl.u32 s14, $0x12;
	s15 =	smul.u32 $0xC8000, s15  }
0x13: {  	s14 =	sand.u32 $0x3F, s14  }
0x14: {  	s14 =	smul.u32 $0x19000, s14;
	s11 =	ssub.s32 s11, s15  }
0x15: {  	[tilespmem:s13+$0x810 ss:$0x81] =	vst.msk $0xffff, v2;
	s15 =	sand.u32 $0x7, s11  }
0x16: {  	[tilespmem:s13+$0x1020 ss:$0x81] =	vst.msk $0xffff, v0;
	s14 =	sadd.s32 s2, s14;
	s11 =	sshrl.u32 s11, $0x3;
	s15 =	sshll.u32 s15, $0x12  }
0x17: {  	[tilespmem:s13+$0x0 ss:$0x81] =	vst.msk $0xffff, v1;
	s11 =	sadd.s32 s11, s14;
	s31 =	sor.u32 $0x400, s15  }
0x18: {  	[hbm4b:s11+s31] =	stream.strided.scatter [tilespmem:s12], [sflag:$0x2], $0x2000, s8, s31, $0x20;
	[tilespmem:$0x8080] =	vst v63  }
.LBB1_5:
0x19: {  	s13 =	sadd.s32 $0x1000, s9  }
0x1a: {  	p2 =	sgt.s32 s13, $0xC7FFF  }
0x1b: {  	s13 =	smov.u32 @p2 s3;
	p2 =	sne.s32 s10, s7  }
.Ltmp1:
0x1c: {  	p1 =	slt.u32 s10, $0x2;
	(pc) =	sbr.rel @!p2 .LBB1_6-.Ltmp1, $4  }
0x1d: {  	s12 =	simm.s32 @!p1 $0x2  }
0x1e: {  	s14 =	sadd.s32 $0x1, s10;
	_ =	swait.ge @!p1 [sflag:s12], $0x2000  }
0x1f: {  	s11 =	smov.u32 s9;
	p0 =	por !p0, !p0;
	[sflag:s12] =	ssyncset.done @!p1 $0x0  }
0x20: {  	s10 =	smov.u32 s14;
	s9 =	smov.u32 s13;
	[sflag:s12] =	ssyncadd.s32 @!p1 $0xFFFFE000  }
.LBB1_1:
0x21: {  	p1 =	sge.u32 s10, s6  }
0x22: {  	s12 =	sand.u32 @!p1 $0x1FFFFFF, s9  }
0x23: {  	s13 =	smulhi.u32 @!p1 $0x147AE15, s12;
	_ =	sdelay $0x1  }
0x24: {  	s13 =	sshrl.u32 @!p1 s13, $0xC  }
0x25: {  	s13 =	smul.u32 @!p1 $0xC8000, s13;
	_ =	sdelay $0x1  }
0x26: {  	s31 =	sadd.s32 $0xFFFFFFFF, s10;
	s14 =	sxor.u32 @!p1 $0xFFFFFFFF, s10;
	s12 =	ssub.s32 @!p1 s12, s13  }
0x27: {  	s15 =	simm.s32 @!p1 $0x80;
	s14 =	sshll.u32 @!p1 s14, $0xD;
	s12 =	sshll.u32 @!p1 s12, $0x4  }
0x28: {  	s13 =	sand.u32 @!p1 $0x2000, s14;
	s14 =	simm.s32 @!p1 $0x40;
	s12 =	sadd.s32 @!p1 s4, s12  }
0x29: {  	[tilespmem:s13], [sflag:$0x1] =	stream.strided.gather @!p1 [hbm4b:s12+s14], $0x2000, s15, s14, $0x38;
	[tilespmem:$0x8080] =	vst v63  }
0x2a: {  	p1 =	sge.u32 s31, s6  }
.Ltmp2:
0x2b: {  	_ = 	snop;
	(pc) =	sbr.rel @p1 .LBB1_5-.Ltmp2, $1  }
0x2c: {  	_ =	sdelay $0x3  }
0x2d: {  	s12 =	simm.s32 $0x1  }
0x2e: {  	_ =	swait.ge [sflag:s5], $0x2000;
	s12 =	simm.s32 @!p0 $0x0  }
0x2f: {  	[sflag:s5] =	ssyncset.done $0x0;
	s13 =	sshll.u32 s12, $0xD  }
0x30: {  	[sflag:s5] =	ssyncadd.s32 $0xFFFFE000;
	s16 =	sor.u32 $0x20, s13  }
0x31: {  	s12 =	smul.u32 $0x8100, s12;
	v3 =	vld [tilespmem:s16+$0x10]  }
0x32: {  	s30 =	sand.u32 $0x1, s10;
	v2 =	vld [tilespmem:s16+$0xFFFFFFF0]  }
0x33: {  	s13 =	smul.u32 $0x8100, s30;
	s12 =	sshrl.u32 s12, $0x2;
	v0 =	vld [tilespmem:s16+$0x0]  }
0x34: {  	v1 =	vld [tilespmem:s16+$0xFFFFFFE0];
	s14 =	sor.u32 $0x4000, s12  }
0x35: {  	s31 =	sshrl.u32 s13, $0x2;
	s13 =	sadd.s32 $0x0, s14  }
0x36: {  	s15 =	simm.s32 $0x4;
	s16 =	sadd.s32 $0x40, s16;
	s12 =	sor.u32 $0x4000, s31;
	[tilespmem:s13+$0x1830 ss:$0x81] =	vst.msk $0xffff, v3  }
.LBB1_3:
0x37: {  	v3 =	vld [tilespmem:s16+$0x10];
	p1 =	sne.s32 s15, $0x1FC;
	[tilespmem:s13+$0x810 ss:$0x81] =	vst.msk $0xffff, v2;
	s17 =	smov.u32 s15;
	s15 =	sadd.s32 $0x4, s15  }
.Ltmp3:
0x38: {  	v2 =	vld [tilespmem:s16+$0xFFFFFFF0];
	[tilespmem:s13+$0x1020 ss:$0x81] =	vst.msk $0xffff, v0;
	(pc) =	sbr.rel @p1 .LBB1_3-.Ltmp3, $4  }
0x39: {  	v0 =	vld [tilespmem:s16+$0x0];
	[tilespmem:s13+$0x0 ss:$0x81] =	vst.msk $0xffff, v1  }
0x3a: {  	s13 =	sshra.s32 s17, $0x2;
	v1 =	vld [tilespmem:s16+$0xFFFFFFE0]  }
0x3b: {  	s13 =	sadd.s32 s13, s14  }
0x3c: {  	s16 =	sadd.s32 $0x40, s16;
	[tilespmem:s13+$0x1830 ss:$0x81] =	vst.msk $0xffff, v3  }
.Ltmp4:
0x3d: {  	_ = 	snop;
	(pc) =	sbr.rel .LBB1_4-.Ltmp4, $1  }
0x3e: {  	_ =	sdelay $0x3  }
.LBB1_6:
0x3f: {  	_ =	sfence.sel $0x180000  }
0x40: {  	s2 =	simm.s32 $0x1;
	[bflag:$0x0] =	sbarrier.arrive $0xFFFF  }
0x41: {  	s31 =	simm.s32 $0x2;
	[sflag:s2] =	ssyncpa.u1 $0x1  }
0x42: {  	[sflag:s31] =	ssyncpa.u1 $0x1  }
0x43: {  	p0 =	sne.s32 s0, $0x0;
	_ =	strace $0x9000004A  }
0x44: {  	s0 =	sadd.s32 @!p0 $0x100000, s1;
	[bflag:$0x2] =	sbarrier.arrive $0xFFFF  }
0x45: {  	[sflag:s0] =	ssyncadd.tile.s32 @!p0 $0x1;
	_ =	shalt  }
.Lfunc_end1:
_tile_overlayer_lowered:
.L_overlay_start_2:
0x46: {  	(tag) =	ssettag $0x2  }
0x47: {  	s0 =	rddreg [dreg:$0x0];
	s2 =	stileid.u32  }
0x48: {  	s1 =	rddreg [dreg:$0x1];
	p0 =	sne.s32 s2, $0x0  }
0x49: {  	s3 =	rddreg [dreg:$0x2];
	[bflag:$0x3] =	sbarrier.arrive $0xFFFF;
	s2 =	simm.s32 @!p0 $0x1C01  }
0x4a: {  	[timem:s3], [sflag:s2] =	dma.local @!p0 [hbm:s0], s1  }
0x4b: {  	s0 =	simm.s32 @!p0 $0x1  }
0x4c: {  	_ =	swait.ge @!p0 [sflag:s0], s1  }
0x4d: {  	s1 =	ssub.s32 @!p0 $0x0, s1;
	[sflag:s0] =	ssyncset.done @!p0 $0x0  }
0x4e: {  	[sflag:s0] =	ssyncadd.s32 @!p0 s1  }
0x4f: {  	[bflag:$0x3] =	sbarrier.arrive $0xFFFF  }
0x50: {  	_ =	shalt  }

</sc_bundles>
